<compile_context>
chip_gen: v7x
topology: tpu7x:2x2x1
jax: 0.10.2.dev20260603
libtpu: 0.0.44.dev20260713+nightly
codegen_flags: <defaults>
</compile_context>

<pallas_src>
import jax
import jax.numpy as jnp
from jax import lax
from jax.experimental import pallas as pl
from jax.experimental.pallas import tpu as pltpu
from jax.experimental.pallas import tpu_sc as plsc

D_MODEL = 1024
SCALE = 32.0
LANES = 16

NC, NS = 2, 16
NW = NC * NS
B_TOT = 4 * 4096
B_PER_W = B_TOT // NW
CHUNK = 16
NBUF = 6
NCHUNK = B_PER_W // CHUNK
VECS = CHUNK * D_MODEL // LANES
XCOLS = 4096
W_PER_XROW = XCOLS // B_PER_W


def _emb_body(idx_hbm, lut_hbm, out_hbm, idx_v, *scratch):
    bufs = scratch[:NBUF]
    gsems = scratch[NBUF:2 * NBUF]
    ssems = scratch[2 * NBUF:3 * NBUF]
    wid = lax.axis_index("s") * NC + lax.axis_index("c")
    base = wid * B_PER_W

    pltpu.sync_copy(
        idx_hbm.at[wid // W_PER_XROW, pl.ds((wid % W_PER_XROW) * B_PER_W, B_PER_W)],
        idx_v)

    def gather_desc(i, b):
        return pltpu.make_async_copy(
            lut_hbm.at[idx_v.at[pl.ds(i * CHUNK, CHUNK)]], bufs[b], gsems[b])

    def store_desc(i, b):
        return pltpu.make_async_copy(
            bufs[b], out_hbm.at[pl.ds(base + i * CHUNK, CHUNK)], ssems[b])

    def scale(b):
        buf = bufs[b]

        @plsc.parallel_loop(0, VECS, unroll=8)
        def _s(j):
            r = lax.shift_right_logical(j, 6)
            c = (j & 63) * LANES
            buf[r, pl.ds(c, LANES)] = buf[r, pl.ds(c, LANES)] * SCALE

    def step(i, b):
        gather_desc(i, b).wait()
        scale(b)
        store_desc(i, b).start()
        j = i + NBUF - 1
        pb = (b - 1) % NBUF

        @pl.when(jnp.logical_and(i >= 1, j < NCHUNK))
        def _():
            store_desc(i - 1, pb).wait()

        @pl.when(j < NCHUNK)
        def _():
            gather_desc(j, pb).start()

    for b in range(NBUF - 1):
        gather_desc(b, b).start()

    @pl.loop(0, NCHUNK, step=NBUF)
    def _group(g):
        for b in range(NBUF):
            i = g + b
            if NCHUNK % NBUF == 0:
                step(i, b)
            else:
                @pl.when(i < NCHUNK)
                def _():
                    step(i, b)

    for k in range(NBUF):
        i = NCHUNK - NBUF + k
        store_desc(i, i % NBUF).wait()


def kernel(x, lut):
    idx = x.astype(jnp.int32)
    out = pl.kernel(
        _emb_body,
        out_type=jax.ShapeDtypeStruct((B_TOT, D_MODEL), jnp.float32),
        mesh=plsc.VectorSubcoreMesh(core_axis_name="c", subcore_axis_name="s"),
        scratch_types=[
            pltpu.VMEM((B_PER_W,), jnp.int32),
        ] + [pltpu.VMEM((CHUNK, D_MODEL), jnp.float32) for _ in range(NBUF)]
          + [pltpu.SemaphoreType.DMA for _ in range(2 * NBUF)],
    )(idx, lut)
    return out.reshape(x.shape + (D_MODEL,))

# --- scband reference (transcript-rebuilt; emitter-appended) ---
"""Pipeline reference for scband-embeddings-44427141710212 (READ-ONLY COPY).

The authoritative reference and input builder live on the scoring server;
editing this copy changes nothing except your own understanding.
"""

import jax, jax.numpy as jnp
import numpy as np
import math

D_MODEL = 1024
VOCAB = 100000

def setup_inputs(seed: int = 0) -> dict:
    key = jax.random.key(seed)
    k_idx, k_tab = jax.random.split(key)
    x = jax.random.randint(k_idx, (4, 4096), 0, VOCAB, dtype=jnp.int64 if jax.config.jax_enable_x64 else jnp.int32)
    lut = jax.random.normal(k_tab, (VOCAB, D_MODEL), dtype=jnp.float32)
    return {"x": x, "lut": lut}

def reference(x, lut):
    # Embeddings.forward: lut(x) * sqrt(d_model)
    emb = jnp.take(lut, x, axis=0)  # [B, S, d_model] gather (SparseCore-friendly)
    return emb * math.sqrt(D_MODEL)

if __name__ == "__main__":
    import jax
    _d = setup_inputs()
    print(jax.jit(kernel)(*tuple(_d.values())))

</pallas_src>

<mosaic_0001>
#map = affine_map<(d0, d1) -> (0, 0)>
module attributes {stable_mosaic.version = 14 : i64} {
  func.func @_emb_body(%arg0: i32, %arg1: i32, %arg2: memref<4x4096xi32, #tpu.memory_space<hbm>>, %arg3: memref<100000x1024xf32, #tpu.memory_space<hbm>>, %arg4: memref<16384x1024xf32, #tpu.memory_space<hbm>>, %arg5: memref<512xi32, #tpu.memory_space<vmem>>, %arg6: memref<16x1024xf32, #tpu.memory_space<vmem>>, %arg7: memref<16x1024xf32, #tpu.memory_space<vmem>>, %arg8: memref<16x1024xf32, #tpu.memory_space<vmem>>, %arg9: memref<16x1024xf32, #tpu.memory_space<vmem>>, %arg10: memref<16x1024xf32, #tpu.memory_space<vmem>>, %arg11: memref<16x1024xf32, #tpu.memory_space<vmem>>, %arg12: memref<!tpu.dma_semaphore, #tpu.memory_space<semaphore_mem>>, %arg13: memref<!tpu.dma_semaphore, #tpu.memory_space<semaphore_mem>>, %arg14: memref<!tpu.dma_semaphore, #tpu.memory_space<semaphore_mem>>, %arg15: memref<!tpu.dma_semaphore, #tpu.memory_space<semaphore_mem>>, %arg16: memref<!tpu.dma_semaphore, #tpu.memory_space<semaphore_mem>>, %arg17: memref<!tpu.dma_semaphore, #tpu.memory_space<semaphore_mem>>, %arg18: memref<!tpu.dma_semaphore, #tpu.memory_space<semaphore_mem>>, %arg19: memref<!tpu.dma_semaphore, #tpu.memory_space<semaphore_mem>>, %arg20: memref<!tpu.dma_semaphore, #tpu.memory_space<semaphore_mem>>, %arg21: memref<!tpu.dma_semaphore, #tpu.memory_space<semaphore_mem>>, %arg22: memref<!tpu.dma_semaphore, #tpu.memory_space<semaphore_mem>>, %arg23: memref<!tpu.dma_semaphore, #tpu.memory_space<semaphore_mem>>) attributes {dimension_semantics = [#tpu.dimension_semantics<core_parallel>, #tpu.dimension_semantics<subcore_parallel>], iteration_bounds = array<i64: 2, 16>, scalar_prefetch = 0 : i64, scratch_operands = 19 : i64, tpu.core_type = #tpu.core_type<sc_vector_subcore>, window_params = [{transform_indices = #map}, {transform_indices = #map}, {transform_indices = #map}]} {
    %mul3A = arith.constant 2 : i32
    %mul3A_0 = arith.muli %arg1, %mul3A : i32
    %add3A = arith.addi %mul3A_0, %arg0 : i32
    %mul3A_1 = arith.constant 512 : i32
    %mul3A_2 = arith.muli %add3A, %mul3A_1 : i32
    %jit3A = arith.constant 8 : i32
    %div3A = arith.divsi %add3A, %jit3A : i32
    %sign3A = arith.constant 0 : i32
    %sign3A_3 = arith.cmpi sgt, %add3A, %sign3A : i32
    %sign3A_4 = arith.extui %sign3A_3 : i1 to i32
    %sign3A_5 = arith.constant 0 : i32
    %sign3A_6 = arith.cmpi slt, %add3A, %sign3A_5 : i32
    %sign3A_7 = arith.extui %sign3A_6 : i1 to i32
    %sign3A_8 = arith.subi %sign3A_4, %sign3A_7 : i32
    %sign3A_9 = arith.constant 0 : i32
    %sign3A_10 = arith.cmpi sgt, %jit3A, %sign3A_9 : i32
    %sign3A_11 = arith.extui %sign3A_10 : i1 to i32
    %sign3A_12 = arith.constant 0 : i32
    %sign3A_13 = arith.cmpi slt, %jit3A, %sign3A_12 : i32
    %sign3A_14 = arith.extui %sign3A_13 : i1 to i32
    %sign3A_15 = arith.subi %sign3A_11, %sign3A_14 : i32
    %ne3A = arith.cmpi ne, %sign3A_8, %sign3A_15 : i32
    %rem3A = arith.remsi %add3A, %jit3A : i32
    %ne3A_16 = arith.constant 0 : i32
    %ne3A_17 = arith.cmpi ne, %rem3A, %ne3A_16 : i32
    %and3A = arith.andi %ne3A, %ne3A_17 : i1
    %sub3A = arith.constant 1 : i32
    %sub3A_18 = arith.subi %div3A, %sub3A : i32
    %select_n3A = arith.select %and3A, %sub3A_18, %div3A : i32
    %jit3A_19 = arith.constant 8 : i32
    %eq3A = arith.constant 0 : i32
    %eq3A_20 = arith.cmpi eq, %jit3A_19, %eq3A : i32
    %jit3A_21 = arith.constant 1 : i32
    %select_n3A_22 = arith.select %eq3A_20, %jit3A_21, %jit3A_19 : i32
    %rem3A_23 = arith.remsi %add3A, %select_n3A_22 : i32
    %ne3A_24 = arith.constant 0 : i32
    %ne3A_25 = arith.cmpi ne, %rem3A_23, %ne3A_24 : i32
    %lt3A = arith.constant 0 : i32
    %lt3A_26 = arith.cmpi slt, %rem3A_23, %lt3A : i32
    %lt3A_27 = arith.constant 0 : i32
    %lt3A_28 = arith.cmpi slt, %select_n3A_22, %lt3A_27 : i32
    %ne3A_29 = arith.xori %lt3A_26, %lt3A_28 : i1
    %and3A_30 = arith.andi %ne3A_29, %ne3A_25 : i1
    %add3A_31 = arith.addi %rem3A_23, %select_n3A_22 : i32
    %select_n3A_32 = arith.select %and3A_30, %add3A_31, %rem3A_23 : i32
    %mul3A_33 = arith.constant 512 : i32
    %mul3A_34 = arith.muli %select_n3A_32, %mul3A_33 : i32
    "tpu.region"() ({
      %run_scoped3A = tpu.sem_alloc : memref<!tpu.dma_semaphore, #tpu.memory_space<semaphore_mem>>
      %dma_start3A_98 = tpu.memref_slice %arg2[%select_n3A, %mul3A_34] : memref<4x4096xi32, #tpu.memory_space<hbm>> -> memref<1x512xi32, #tpu.memory_space<hbm>>
      %dma_start3A_99 = tpu.memref_squeeze %dma_start3A_98 : memref<1x512xi32, #tpu.memory_space<hbm>> -> memref<512xi32, #tpu.memory_space<hbm>>
      %dma_start3A_100 = tpu.memref_slice %arg2[%select_n3A, %mul3A_34] : memref<4x4096xi32, #tpu.memory_space<hbm>> -> memref<1x512xi32, #tpu.memory_space<hbm>>
      %dma_start3A_101 = tpu.memref_squeeze %dma_start3A_100 : memref<1x512xi32, #tpu.memory_space<hbm>> -> memref<512xi32, #tpu.memory_space<hbm>>
      tpu.enqueue_dma source(%dma_start3A_101 : memref<512xi32, #tpu.memory_space<hbm>>) target(%arg5 : memref<512xi32, #tpu.memory_space<vmem>>) target_semaphore(%run_scoped3A : memref<!tpu.dma_semaphore, #tpu.memory_space<semaphore_mem>>)
      %dma_wait3A_102 = tpu.memref_slice %arg2[%select_n3A, %mul3A_34] : memref<4x4096xi32, #tpu.memory_space<hbm>> -> memref<1x512xi32, #tpu.memory_space<hbm>>
      %dma_wait3A_103 = tpu.memref_squeeze %dma_wait3A_102 : memref<1x512xi32, #tpu.memory_space<hbm>> -> memref<512xi32, #tpu.memory_space<hbm>>
      %dma_wait3A_104 = tpu.memref_slice %arg2[%select_n3A, %mul3A_34] : memref<4x4096xi32, #tpu.memory_space<hbm>> -> memref<1x512xi32, #tpu.memory_space<hbm>>
      %dma_wait3A_105 = tpu.memref_squeeze %dma_wait3A_104 : memref<1x512xi32, #tpu.memory_space<hbm>> -> memref<512xi32, #tpu.memory_space<hbm>>
      tpu.wait_dma2 semaphore(%run_scoped3A : memref<!tpu.dma_semaphore, #tpu.memory_space<semaphore_mem>>) src(%dma_wait3A_105 : memref<512xi32, #tpu.memory_space<hbm>>) dst(%arg5 : memref<512xi32, #tpu.memory_space<vmem>>)
      tpu.yield
    }) : () -> ()
    %dma_start3A = arith.constant 0 : i32
    %dma_start3A_35 = tpu.memref_slice %arg5[%dma_start3A] : memref<512xi32, #tpu.memory_space<vmem>> -> memref<16xi32, #tpu.memory_space<vmem>>
    %dma_start3A_36 = arith.constant 0 : i32
    %dma_start3A_37 = arith.constant 0 : i32
    %dma_start3A_38 = tpu.memref_slice %arg3[%dma_start3A_36, %dma_start3A_37] : memref<100000x1024xf32, #tpu.memory_space<hbm>> -> memref<100000x1024xf32, #tpu.memory_space<hbm>>
    tpu.enqueue_indirect_dma source(%dma_start3A_38 : memref<100000x1024xf32, #tpu.memory_space<hbm>>) target(%arg6 : memref<16x1024xf32, #tpu.memory_space<vmem>>) offsets(%dma_start3A_35 : memref<16xi32, #tpu.memory_space<vmem>>) semaphore(%arg12 : memref<!tpu.dma_semaphore, #tpu.memory_space<semaphore_mem>>)
    %dma_start3A_39 = arith.constant 16 : i32
    %dma_start3A_40 = tpu.memref_slice %arg5[%dma_start3A_39] : memref<512xi32, #tpu.memory_space<vmem>> -> memref<16xi32, #tpu.memory_space<vmem>>
    %dma_start3A_41 = arith.constant 0 : i32
    %dma_start3A_42 = arith.constant 0 : i32
    %dma_start3A_43 = tpu.memref_slice %arg3[%dma_start3A_41, %dma_start3A_42] : memref<100000x1024xf32, #tpu.memory_space<hbm>> -> memref<100000x1024xf32, #tpu.memory_space<hbm>>
    tpu.enqueue_indirect_dma source(%dma_start3A_43 : memref<100000x1024xf32, #tpu.memory_space<hbm>>) target(%arg7 : memref<16x1024xf32, #tpu.memory_space<vmem>>) offsets(%dma_start3A_40 : memref<16xi32, #tpu.memory_space<vmem>>) semaphore(%arg13 : memref<!tpu.dma_semaphore, #tpu.memory_space<semaphore_mem>>)
    %dma_start3A_44 = arith.constant 32 : i32
    %dma_start3A_45 = tpu.memref_slice %arg5[%dma_start3A_44] : memref<512xi32, #tpu.memory_space<vmem>> -> memref<16xi32, #tpu.memory_space<vmem>>
    %dma_start3A_46 = arith.constant 0 : i32
    %dma_start3A_47 = arith.constant 0 : i32
    %dma_start3A_48 = tpu.memref_slice %arg3[%dma_start3A_46, %dma_start3A_47] : memref<100000x1024xf32, #tpu.memory_space<hbm>> -> memref<100000x1024xf32, #tpu.memory_space<hbm>>
    tpu.enqueue_indirect_dma source(%dma_start3A_48 : memref<100000x1024xf32, #tpu.memory_space<hbm>>) target(%arg8 : memref<16x1024xf32, #tpu.memory_space<vmem>>) offsets(%dma_start3A_45 : memref<16xi32, #tpu.memory_space<vmem>>) semaphore(%arg14 : memref<!tpu.dma_semaphore, #tpu.memory_space<semaphore_mem>>)
    %dma_start3A_49 = arith.constant 48 : i32
    %dma_start3A_50 = tpu.memref_slice %arg5[%dma_start3A_49] : memref<512xi32, #tpu.memory_space<vmem>> -> memref<16xi32, #tpu.memory_space<vmem>>
    %dma_start3A_51 = arith.constant 0 : i32
    %dma_start3A_52 = arith.constant 0 : i32
    %dma_start3A_53 = tpu.memref_slice %arg3[%dma_start3A_51, %dma_start3A_52] : memref<100000x1024xf32, #tpu.memory_space<hbm>> -> memref<100000x1024xf32, #tpu.memory_space<hbm>>
    tpu.enqueue_indirect_dma source(%dma_start3A_53 : memref<100000x1024xf32, #tpu.memory_space<hbm>>) target(%arg9 : memref<16x1024xf32, #tpu.memory_space<vmem>>) offsets(%dma_start3A_50 : memref<16xi32, #tpu.memory_space<vmem>>) semaphore(%arg15 : memref<!tpu.dma_semaphore, #tpu.memory_space<semaphore_mem>>)
    %dma_start3A_54 = arith.constant 64 : i32
    %dma_start3A_55 = tpu.memref_slice %arg5[%dma_start3A_54] : memref<512xi32, #tpu.memory_space<vmem>> -> memref<16xi32, #tpu.memory_space<vmem>>
    %dma_start3A_56 = arith.constant 0 : i32
    %dma_start3A_57 = arith.constant 0 : i32
    %dma_start3A_58 = tpu.memref_slice %arg3[%dma_start3A_56, %dma_start3A_57] : memref<100000x1024xf32, #tpu.memory_space<hbm>> -> memref<100000x1024xf32, #tpu.memory_space<hbm>>
    tpu.enqueue_indirect_dma source(%dma_start3A_58 : memref<100000x1024xf32, #tpu.memory_space<hbm>>) target(%arg10 : memref<16x1024xf32, #tpu.memory_space<vmem>>) offsets(%dma_start3A_55 : memref<16xi32, #tpu.memory_space<vmem>>) semaphore(%arg16 : memref<!tpu.dma_semaphore, #tpu.memory_space<semaphore_mem>>)
    %scan3A = arith.constant 0 : i32
    %scan3A_59 = arith.constant 6 : i32
    %scan3A_60 = arith.addi %scan3A, %scan3A_59 : i32
    %scan3A_61 = arith.constant 1 : i32
    scf.for %scan3A_98 = %scan3A to %scan3A_60 step %scan3A_61  : i32 {
      %mul3A_99 = arith.constant 6 : i32
      %mul3A_100 = arith.muli %scan3A_98, %mul3A_99 : i32
      %add3A_101 = arith.constant 0 : i32
      %add3A_102 = arith.addi %add3A_101, %mul3A_100 : i32
      %add3A_103 = arith.constant 0 : i32
      %add3A_104 = arith.addi %add3A_102, %add3A_103 : i32
      %lt3A_105 = arith.constant 32 : i32
      %lt3A_106 = arith.cmpi slt, %add3A_104, %lt3A_105 : i32
      %convert_element_type3A = arith.extui %lt3A_106 : i1 to i32
      %cond3A = arith.constant 0 : i32
      %cond3A_107 = arith.cmpi ne, %convert_element_type3A, %cond3A : i32
      scf.if %cond3A_107 {
        %mul3A_143 = arith.constant 16 : i32
        %mul3A_144 = arith.muli %add3A_104, %mul3A_143 : i32
        %dma_wait3A_145 = tpu.memref_slice %arg5[%mul3A_144] : memref<512xi32, #tpu.memory_space<vmem>> -> memref<16xi32, #tpu.memory_space<vmem>>
        %dma_wait3A_146 = arith.constant 0 : i32
        %dma_wait3A_147 = arith.constant 0 : i32
        %dma_wait3A_148 = tpu.memref_slice %arg3[%dma_wait3A_146, %dma_wait3A_147] : memref<100000x1024xf32, #tpu.memory_space<hbm>> -> memref<100000x1024xf32, #tpu.memory_space<hbm>>
        tpu.wait_indirect_dma semaphore(%arg12 : memref<!tpu.dma_semaphore, #tpu.memory_space<semaphore_mem>>) src(%dma_wait3A_148 : memref<100000x1024xf32, #tpu.memory_space<hbm>>) dst(%arg6 : memref<16x1024xf32, #tpu.memory_space<vmem>>)
        %parallel_loop3A = arith.constant 0 : i32
        %parallel_loop3A_149 = arith.constant 1024 : i32
        %parallel_loop3A_150 = arith.constant 1 : i32
        scf.for %parallel_loop3A_174 = %parallel_loop3A to %parallel_loop3A_149 step %parallel_loop3A_150  : i32 {
          %parallel_loop3A_175 = arith.constant 6 : i32
          %parallel_loop3A_176 = arith.shrui %parallel_loop3A_174, %parallel_loop3A_175 : i32
          %parallel_loop3A_177 = arith.constant 63 : i32
          %parallel_loop3A_178 = arith.andi %parallel_loop3A_174, %parallel_loop3A_177 : i32
          %parallel_loop3A_179 = arith.constant 16 : i32
          %parallel_loop3A_180 = arith.muli %parallel_loop3A_178, %parallel_loop3A_179 : i32
          %parallel_loop3A_181 = arith.index_cast %parallel_loop3A_176 : i32 to index
          %parallel_loop3A_182 = arith.index_cast %parallel_loop3A_180 : i32 to index
          %parallel_loop3A_183 = tpu.vector_load %arg6[%parallel_loop3A_181, %parallel_loop3A_182] {strides = array<i32>} : memref<16x1024xf32, #tpu.memory_space<vmem>>, vector<1x16xf32>,
          %parallel_loop3A_184 = vector.shape_cast %parallel_loop3A_183 : vector<1x16xf32> to vector<16xf32>
          %parallel_loop3A_185 = arith.constant 3.200000e+01 : f32
          %parallel_loop3A_186 = vector.broadcast %parallel_loop3A_185 : f32 to vector<16xf32>
          %parallel_loop3A_187 = arith.mulf %parallel_loop3A_184, %parallel_loop3A_186 : vector<16xf32>
          %parallel_loop3A_188 = arith.index_cast %parallel_loop3A_176 : i32 to index
          %parallel_loop3A_189 = arith.index_cast %parallel_loop3A_180 : i32 to index
          %parallel_loop3A_190 = tpu.vector_load %arg6[%parallel_loop3A_188, %parallel_loop3A_189] {strides = array<i32>} : memref<16x1024xf32, #tpu.memory_space<vmem>>, vector<1x16xf32>,
          %parallel_loop3A_191 = vector.shape_cast %parallel_loop3A_190 : vector<1x16xf32> to vector<16xf32>
          %parallel_loop3A_192 = vector.shape_cast %parallel_loop3A_187 : vector<16xf32> to vector<1x16xf32>
          tpu.vector_store %arg6[%parallel_loop3A_188, %parallel_loop3A_189], %parallel_loop3A_192 {strides = array<i32>} : memref<16x1024xf32, #tpu.memory_space<vmem>>, vector<1x16xf32>,
        } {sc.loop_unroll_factor = 8 : i64, sc.parallel_access}
        %mul3A_151 = arith.constant 16 : i32
        %mul3A_152 = arith.muli %add3A_104, %mul3A_151 : i32
        %add3A_153 = arith.addi %mul3A_2, %mul3A_152 : i32
        %dma_start3A_154 = arith.constant 0 : i32
        %dma_start3A_155 = tpu.memref_slice %arg4[%add3A_153, %dma_start3A_154] : memref<16384x1024xf32, #tpu.memory_space<hbm>> -> memref<16x1024xf32, #tpu.memory_space<hbm>>
        %dma_start3A_156 = arith.constant 0 : i32
        %dma_start3A_157 = tpu.memref_slice %arg4[%add3A_153, %dma_start3A_156] : memref<16384x1024xf32, #tpu.memory_space<hbm>> -> memref<16x1024xf32, #tpu.memory_space<hbm>>
        tpu.enqueue_dma source(%arg6 : memref<16x1024xf32, #tpu.memory_space<vmem>>) target(%dma_start3A_157 : memref<16x1024xf32, #tpu.memory_space<hbm>>) target_semaphore(%arg18 : memref<!tpu.dma_semaphore, #tpu.memory_space<semaphore_mem>>)
        %add3A_158 = arith.constant 6 : i32
        %add3A_159 = arith.addi %add3A_104, %add3A_158 : i32
        %sub3A_160 = arith.constant 1 : i32
        %sub3A_161 = arith.subi %add3A_159, %sub3A_160 : i32
        %ge3A = arith.constant 1 : i32
        %ge3A_162 = arith.cmpi sge, %add3A_104, %ge3A : i32
        %lt3A_163 = arith.constant 32 : i32
        %lt3A_164 = arith.cmpi slt, %sub3A_161, %lt3A_163 : i32
        %and3A_165 = arith.andi %ge3A_162, %lt3A_164 : i1
        %convert_element_type3A_166 = arith.extui %and3A_165 : i1 to i32
        %cond3A_167 = arith.constant 0 : i32
        %cond3A_168 = arith.cmpi ne, %convert_element_type3A_166, %cond3A_167 : i32
        scf.if %cond3A_168 {
          %sub3A_174 = arith.constant 1 : i32
          %sub3A_175 = arith.subi %add3A_104, %sub3A_174 : i32
          %mul3A_176 = arith.constant 16 : i32
          %mul3A_177 = arith.muli %sub3A_175, %mul3A_176 : i32
          %add3A_178 = arith.addi %mul3A_2, %mul3A_177 : i32
          %dma_wait3A_179 = arith.constant 0 : i32
          %dma_wait3A_180 = tpu.memref_slice %arg4[%add3A_178, %dma_wait3A_179] : memref<16384x1024xf32, #tpu.memory_space<hbm>> -> memref<16x1024xf32, #tpu.memory_space<hbm>>
          %dma_wait3A_181 = arith.constant 0 : i32
          %dma_wait3A_182 = tpu.memref_slice %arg4[%add3A_178, %dma_wait3A_181] : memref<16384x1024xf32, #tpu.memory_space<hbm>> -> memref<16x1024xf32, #tpu.memory_space<hbm>>
          tpu.wait_dma2 semaphore(%arg23 : memref<!tpu.dma_semaphore, #tpu.memory_space<semaphore_mem>>) src(%arg11 : memref<16x1024xf32, #tpu.memory_space<vmem>>) dst(%dma_wait3A_182 : memref<16x1024xf32, #tpu.memory_space<hbm>>)
        } else {
        }
        %lt3A_169 = arith.constant 32 : i32
        %lt3A_170 = arith.cmpi slt, %sub3A_161, %lt3A_169 : i32
        %convert_element_type3A_171 = arith.extui %lt3A_170 : i1 to i32
        %cond3A_172 = arith.constant 0 : i32
        %cond3A_173 = arith.cmpi ne, %convert_element_type3A_171, %cond3A_172 : i32
        scf.if %cond3A_173 {
          %mul3A_174 = arith.constant 16 : i32
          %mul3A_175 = arith.muli %sub3A_161, %mul3A_174 : i32
          %dma_start3A_176 = tpu.memref_slice %arg5[%mul3A_175] : memref<512xi32, #tpu.memory_space<vmem>> -> memref<16xi32, #tpu.memory_space<vmem>>
          %dma_start3A_177 = arith.constant 0 : i32
          %dma_start3A_178 = arith.constant 0 : i32
          %dma_start3A_179 = tpu.memref_slice %arg3[%dma_start3A_177, %dma_start3A_178] : memref<100000x1024xf32, #tpu.memory_space<hbm>> -> memref<100000x1024xf32, #tpu.memory_space<hbm>>
          tpu.enqueue_indirect_dma source(%dma_start3A_179 : memref<100000x1024xf32, #tpu.memory_space<hbm>>) target(%arg11 : memref<16x1024xf32, #tpu.memory_space<vmem>>) offsets(%dma_start3A_176 : memref<16xi32, #tpu.memory_space<vmem>>) semaphore(%arg17 : memref<!tpu.dma_semaphore, #tpu.memory_space<semaphore_mem>>)
        } else {
        }
      } else {
      }
      %add3A_108 = arith.constant 1 : i32
      %add3A_109 = arith.addi %add3A_102, %add3A_108 : i32
      %lt3A_110 = arith.constant 32 : i32
      %lt3A_111 = arith.cmpi slt, %add3A_109, %lt3A_110 : i32
      %convert_element_type3A_112 = arith.extui %lt3A_111 : i1 to i32
      %cond3A_113 = arith.constant 0 : i32
      %cond3A_114 = arith.cmpi ne, %convert_element_type3A_112, %cond3A_113 : i32
      scf.if %cond3A_114 {
        %mul3A_143 = arith.constant 16 : i32
        %mul3A_144 = arith.muli %add3A_109, %mul3A_143 : i32
        %dma_wait3A_145 = tpu.memref_slice %arg5[%mul3A_144] : memref<512xi32, #tpu.memory_space<vmem>> -> memref<16xi32, #tpu.memory_space<vmem>>
        %dma_wait3A_146 = arith.constant 0 : i32
        %dma_wait3A_147 = arith.constant 0 : i32
        %dma_wait3A_148 = tpu.memref_slice %arg3[%dma_wait3A_146, %dma_wait3A_147] : memref<100000x1024xf32, #tpu.memory_space<hbm>> -> memref<100000x1024xf32, #tpu.memory_space<hbm>>
        tpu.wait_indirect_dma semaphore(%arg13 : memref<!tpu.dma_semaphore, #tpu.memory_space<semaphore_mem>>) src(%dma_wait3A_148 : memref<100000x1024xf32, #tpu.memory_space<hbm>>) dst(%arg7 : memref<16x1024xf32, #tpu.memory_space<vmem>>)
        %parallel_loop3A = arith.constant 0 : i32
        %parallel_loop3A_149 = arith.constant 1024 : i32
        %parallel_loop3A_150 = arith.constant 1 : i32
        scf.for %parallel_loop3A_174 = %parallel_loop3A to %parallel_loop3A_149 step %parallel_loop3A_150  : i32 {
          %parallel_loop3A_175 = arith.constant 6 : i32
          %parallel_loop3A_176 = arith.shrui %parallel_loop3A_174, %parallel_loop3A_175 : i32
          %parallel_loop3A_177 = arith.constant 63 : i32
          %parallel_loop3A_178 = arith.andi %parallel_loop3A_174, %parallel_loop3A_177 : i32
          %parallel_loop3A_179 = arith.constant 16 : i32
          %parallel_loop3A_180 = arith.muli %parallel_loop3A_178, %parallel_loop3A_179 : i32
          %parallel_loop3A_181 = arith.index_cast %parallel_loop3A_176 : i32 to index
          %parallel_loop3A_182 = arith.index_cast %parallel_loop3A_180 : i32 to index
          %parallel_loop3A_183 = tpu.vector_load %arg7[%parallel_loop3A_181, %parallel_loop3A_182] {strides = array<i32>} : memref<16x1024xf32, #tpu.memory_space<vmem>>, vector<1x16xf32>,
          %parallel_loop3A_184 = vector.shape_cast %parallel_loop3A_183 : vector<1x16xf32> to vector<16xf32>
          %parallel_loop3A_185 = arith.constant 3.200000e+01 : f32
          %parallel_loop3A_186 = vector.broadcast %parallel_loop3A_185 : f32 to vector<16xf32>
          %parallel_loop3A_187 = arith.mulf %parallel_loop3A_184, %parallel_loop3A_186 : vector<16xf32>
          %parallel_loop3A_188 = arith.index_cast %parallel_loop3A_176 : i32 to index
          %parallel_loop3A_189 = arith.index_cast %parallel_loop3A_180 : i32 to index
          %parallel_loop3A_190 = tpu.vector_load %arg7[%parallel_loop3A_188, %parallel_loop3A_189] {strides = array<i32>} : memref<16x1024xf32, #tpu.memory_space<vmem>>, vector<1x16xf32>,
          %parallel_loop3A_191 = vector.shape_cast %parallel_loop3A_190 : vector<1x16xf32> to vector<16xf32>
          %parallel_loop3A_192 = vector.shape_cast %parallel_loop3A_187 : vector<16xf32> to vector<1x16xf32>
          tpu.vector_store %arg7[%parallel_loop3A_188, %parallel_loop3A_189], %parallel_loop3A_192 {strides = array<i32>} : memref<16x1024xf32, #tpu.memory_space<vmem>>, vector<1x16xf32>,
        } {sc.loop_unroll_factor = 8 : i64, sc.parallel_access}
        %mul3A_151 = arith.constant 16 : i32
        %mul3A_152 = arith.muli %add3A_109, %mul3A_151 : i32
        %add3A_153 = arith.addi %mul3A_2, %mul3A_152 : i32
        %dma_start3A_154 = arith.constant 0 : i32
        %dma_start3A_155 = tpu.memref_slice %arg4[%add3A_153, %dma_start3A_154] : memref<16384x1024xf32, #tpu.memory_space<hbm>> -> memref<16x1024xf32, #tpu.memory_space<hbm>>
        %dma_start3A_156 = arith.constant 0 : i32
        %dma_start3A_157 = tpu.memref_slice %arg4[%add3A_153, %dma_start3A_156] : memref<16384x1024xf32, #tpu.memory_space<hbm>> -> memref<16x1024xf32, #tpu.memory_space<hbm>>
        tpu.enqueue_dma source(%arg7 : memref<16x1024xf32, #tpu.memory_space<vmem>>) target(%dma_start3A_157 : memref<16x1024xf32, #tpu.memory_space<hbm>>) target_semaphore(%arg19 : memref<!tpu.dma_semaphore, #tpu.memory_space<semaphore_mem>>)
        %add3A_158 = arith.constant 6 : i32
        %add3A_159 = arith.addi %add3A_109, %add3A_158 : i32
        %sub3A_160 = arith.constant 1 : i32
        %sub3A_161 = arith.subi %add3A_159, %sub3A_160 : i32
        %ge3A = arith.constant 1 : i32
        %ge3A_162 = arith.cmpi sge, %add3A_109, %ge3A : i32
        %lt3A_163 = arith.constant 32 : i32
        %lt3A_164 = arith.cmpi slt, %sub3A_161, %lt3A_163 : i32
        %and3A_165 = arith.andi %ge3A_162, %lt3A_164 : i1
        %convert_element_type3A_166 = arith.extui %and3A_165 : i1 to i32
        %cond3A_167 = arith.constant 0 : i32
        %cond3A_168 = arith.cmpi ne, %convert_element_type3A_166, %cond3A_167 : i32
        scf.if %cond3A_168 {
          %sub3A_174 = arith.constant 1 : i32
          %sub3A_175 = arith.subi %add3A_109, %sub3A_174 : i32
          %mul3A_176 = arith.constant 16 : i32
          %mul3A_177 = arith.muli %sub3A_175, %mul3A_176 : i32
          %add3A_178 = arith.addi %mul3A_2, %mul3A_177 : i32
          %dma_wait3A_179 = arith.constant 0 : i32
          %dma_wait3A_180 = tpu.memref_slice %arg4[%add3A_178, %dma_wait3A_179] : memref<16384x1024xf32, #tpu.memory_space<hbm>> -> memref<16x1024xf32, #tpu.memory_space<hbm>>
          %dma_wait3A_181 = arith.constant 0 : i32
          %dma_wait3A_182 = tpu.memref_slice %arg4[%add3A_178, %dma_wait3A_181] : memref<16384x1024xf32, #tpu.memory_space<hbm>> -> memref<16x1024xf32, #tpu.memory_space<hbm>>
          tpu.wait_dma2 semaphore(%arg18 : memref<!tpu.dma_semaphore, #tpu.memory_space<semaphore_mem>>) src(%arg6 : memref<16x1024xf32, #tpu.memory_space<vmem>>) dst(%dma_wait3A_182 : memref<16x1024xf32, #tpu.memory_space<hbm>>)
        } else {
        }
        %lt3A_169 = arith.constant 32 : i32
        %lt3A_170 = arith.cmpi slt, %sub3A_161, %lt3A_169 : i32
        %convert_element_type3A_171 = arith.extui %lt3A_170 : i1 to i32
        %cond3A_172 = arith.constant 0 : i32
        %cond3A_173 = arith.cmpi ne, %convert_element_type3A_171, %cond3A_172 : i32
        scf.if %cond3A_173 {
          %mul3A_174 = arith.constant 16 : i32
          %mul3A_175 = arith.muli %sub3A_161, %mul3A_174 : i32
          %dma_start3A_176 = tpu.memref_slice %arg5[%mul3A_175] : memref<512xi32, #tpu.memory_space<vmem>> -> memref<16xi32, #tpu.memory_space<vmem>>
          %dma_start3A_177 = arith.constant 0 : i32
          %dma_start3A_178 = arith.constant 0 : i32
          %dma_start3A_179 = tpu.memref_slice %arg3[%dma_start3A_177, %dma_start3A_178] : memref<100000x1024xf32, #tpu.memory_space<hbm>> -> memref<100000x1024xf32, #tpu.memory_space<hbm>>
          tpu.enqueue_indirect_dma source(%dma_start3A_179 : memref<100000x1024xf32, #tpu.memory_space<hbm>>) target(%arg6 : memref<16x1024xf32, #tpu.memory_space<vmem>>) offsets(%dma_start3A_176 : memref<16xi32, #tpu.memory_space<vmem>>) semaphore(%arg12 : memref<!tpu.dma_semaphore, #tpu.memory_space<semaphore_mem>>)
        } else {
        }
      } else {
      }
      %add3A_115 = arith.constant 2 : i32
      %add3A_116 = arith.addi %add3A_102, %add3A_115 : i32
      %lt3A_117 = arith.constant 32 : i32
      %lt3A_118 = arith.cmpi slt, %add3A_116, %lt3A_117 : i32
      %convert_element_type3A_119 = arith.extui %lt3A_118 : i1 to i32
      %cond3A_120 = arith.constant 0 : i32
      %cond3A_121 = arith.cmpi ne, %convert_element_type3A_119, %cond3A_120 : i32
      scf.if %cond3A_121 {
        %mul3A_143 = arith.constant 16 : i32
        %mul3A_144 = arith.muli %add3A_116, %mul3A_143 : i32
        %dma_wait3A_145 = tpu.memref_slice %arg5[%mul3A_144] : memref<512xi32, #tpu.memory_space<vmem>> -> memref<16xi32, #tpu.memory_space<vmem>>
        %dma_wait3A_146 = arith.constant 0 : i32
        %dma_wait3A_147 = arith.constant 0 : i32
        %dma_wait3A_148 = tpu.memref_slice %arg3[%dma_wait3A_146, %dma_wait3A_147] : memref<100000x1024xf32, #tpu.memory_space<hbm>> -> memref<100000x1024xf32, #tpu.memory_space<hbm>>
        tpu.wait_indirect_dma semaphore(%arg14 : memref<!tpu.dma_semaphore, #tpu.memory_space<semaphore_mem>>) src(%dma_wait3A_148 : memref<100000x1024xf32, #tpu.memory_space<hbm>>) dst(%arg8 : memref<16x1024xf32, #tpu.memory_space<vmem>>)
        %parallel_loop3A = arith.constant 0 : i32
        %parallel_loop3A_149 = arith.constant 1024 : i32
        %parallel_loop3A_150 = arith.constant 1 : i32
        scf.for %parallel_loop3A_174 = %parallel_loop3A to %parallel_loop3A_149 step %parallel_loop3A_150  : i32 {
          %parallel_loop3A_175 = arith.constant 6 : i32
          %parallel_loop3A_176 = arith.shrui %parallel_loop3A_174, %parallel_loop3A_175 : i32
          %parallel_loop3A_177 = arith.constant 63 : i32
          %parallel_loop3A_178 = arith.andi %parallel_loop3A_174, %parallel_loop3A_177 : i32
          %parallel_loop3A_179 = arith.constant 16 : i32
          %parallel_loop3A_180 = arith.muli %parallel_loop3A_178, %parallel_loop3A_179 : i32
          %parallel_loop3A_181 = arith.index_cast %parallel_loop3A_176 : i32 to index
          %parallel_loop3A_182 = arith.index_cast %parallel_loop3A_180 : i32 to index
          %parallel_loop3A_183 = tpu.vector_load %arg8[%parallel_loop3A_181, %parallel_loop3A_182] {strides = array<i32>} : memref<16x1024xf32, #tpu.memory_space<vmem>>, vector<1x16xf32>,
          %parallel_loop3A_184 = vector.shape_cast %parallel_loop3A_183 : vector<1x16xf32> to vector<16xf32>
          %parallel_loop3A_185 = arith.constant 3.200000e+01 : f32
          %parallel_loop3A_186 = vector.broadcast %parallel_loop3A_185 : f32 to vector<16xf32>
          %parallel_loop3A_187 = arith.mulf %parallel_loop3A_184, %parallel_loop3A_186 : vector<16xf32>
          %parallel_loop3A_188 = arith.index_cast %parallel_loop3A_176 : i32 to index
          %parallel_loop3A_189 = arith.index_cast %parallel_loop3A_180 : i32 to index
          %parallel_loop3A_190 = tpu.vector_load %arg8[%parallel_loop3A_188, %parallel_loop3A_189] {strides = array<i32>} : memref<16x1024xf32, #tpu.memory_space<vmem>>, vector<1x16xf32>,
          %parallel_loop3A_191 = vector.shape_cast %parallel_loop3A_190 : vector<1x16xf32> to vector<16xf32>
          %parallel_loop3A_192 = vector.shape_cast %parallel_loop3A_187 : vector<16xf32> to vector<1x16xf32>
          tpu.vector_store %arg8[%parallel_loop3A_188, %parallel_loop3A_189], %parallel_loop3A_192 {strides = array<i32>} : memref<16x1024xf32, #tpu.memory_space<vmem>>, vector<1x16xf32>,
        } {sc.loop_unroll_factor = 8 : i64, sc.parallel_access}
        %mul3A_151 = arith.constant 16 : i32
        %mul3A_152 = arith.muli %add3A_116, %mul3A_151 : i32
        %add3A_153 = arith.addi %mul3A_2, %mul3A_152 : i32
        %dma_start3A_154 = arith.constant 0 : i32
        %dma_start3A_155 = tpu.memref_slice %arg4[%add3A_153, %dma_start3A_154] : memref<16384x1024xf32, #tpu.memory_space<hbm>> -> memref<16x1024xf32, #tpu.memory_space<hbm>>
        %dma_start3A_156 = arith.constant 0 : i32
        %dma_start3A_157 = tpu.memref_slice %arg4[%add3A_153, %dma_start3A_156] : memref<16384x1024xf32, #tpu.memory_space<hbm>> -> memref<16x1024xf32, #tpu.memory_space<hbm>>
        tpu.enqueue_dma source(%arg8 : memref<16x1024xf32, #tpu.memory_space<vmem>>) target(%dma_start3A_157 : memref<16x1024xf32, #tpu.memory_space<hbm>>) target_semaphore(%arg20 : memref<!tpu.dma_semaphore, #tpu.memory_space<semaphore_mem>>)
        %add3A_158 = arith.constant 6 : i32
        %add3A_159 = arith.addi %add3A_116, %add3A_158 : i32
        %sub3A_160 = arith.constant 1 : i32
        %sub3A_161 = arith.subi %add3A_159, %sub3A_160 : i32
        %ge3A = arith.constant 1 : i32
        %ge3A_162 = arith.cmpi sge, %add3A_116, %ge3A : i32
        %lt3A_163 = arith.constant 32 : i32
        %lt3A_164 = arith.cmpi slt, %sub3A_161, %lt3A_163 : i32
        %and3A_165 = arith.andi %ge3A_162, %lt3A_164 : i1
        %convert_element_type3A_166 = arith.extui %and3A_165 : i1 to i32
        %cond3A_167 = arith.constant 0 : i32
        %cond3A_168 = arith.cmpi ne, %convert_element_type3A_166, %cond3A_167 : i32
        scf.if %cond3A_168 {
          %sub3A_174 = arith.constant 1 : i32
          %sub3A_175 = arith.subi %add3A_116, %sub3A_174 : i32
          %mul3A_176 = arith.constant 16 : i32
          %mul3A_177 = arith.muli %sub3A_175, %mul3A_176 : i32
          %add3A_178 = arith.addi %mul3A_2, %mul3A_177 : i32
          %dma_wait3A_179 = arith.constant 0 : i32
          %dma_wait3A_180 = tpu.memref_slice %arg4[%add3A_178, %dma_wait3A_179] : memref<16384x1024xf32, #tpu.memory_space<hbm>> -> memref<16x1024xf32, #tpu.memory_space<hbm>>
          %dma_wait3A_181 = arith.constant 0 : i32
          %dma_wait3A_182 = tpu.memref_slice %arg4[%add3A_178, %dma_wait3A_181] : memref<16384x1024xf32, #tpu.memory_space<hbm>> -> memref<16x1024xf32, #tpu.memory_space<hbm>>
          tpu.wait_dma2 semaphore(%arg19 : memref<!tpu.dma_semaphore, #tpu.memory_space<semaphore_mem>>) src(%arg7 : memref<16x1024xf32, #tpu.memory_space<vmem>>) dst(%dma_wait3A_182 : memref<16x1024xf32, #tpu.memory_space<hbm>>)
        } else {
        }
        %lt3A_169 = arith.constant 32 : i32
        %lt3A_170 = arith.cmpi slt, %sub3A_161, %lt3A_169 : i32
        %convert_element_type3A_171 = arith.extui %lt3A_170 : i1 to i32
        %cond3A_172 = arith.constant 0 : i32
        %cond3A_173 = arith.cmpi ne, %convert_element_type3A_171, %cond3A_172 : i32
        scf.if %cond3A_173 {
          %mul3A_174 = arith.constant 16 : i32
          %mul3A_175 = arith.muli %sub3A_161, %mul3A_174 : i32
          %dma_start3A_176 = tpu.memref_slice %arg5[%mul3A_175] : memref<512xi32, #tpu.memory_space<vmem>> -> memref<16xi32, #tpu.memory_space<vmem>>
          %dma_start3A_177 = arith.constant 0 : i32
          %dma_start3A_178 = arith.constant 0 : i32
          %dma_start3A_179 = tpu.memref_slice %arg3[%dma_start3A_177, %dma_start3A_178] : memref<100000x1024xf32, #tpu.memory_space<hbm>> -> memref<100000x1024xf32, #tpu.memory_space<hbm>>
          tpu.enqueue_indirect_dma source(%dma_start3A_179 : memref<100000x1024xf32, #tpu.memory_space<hbm>>) target(%arg7 : memref<16x1024xf32, #tpu.memory_space<vmem>>) offsets(%dma_start3A_176 : memref<16xi32, #tpu.memory_space<vmem>>) semaphore(%arg13 : memref<!tpu.dma_semaphore, #tpu.memory_space<semaphore_mem>>)
        } else {
        }
      } else {
      }
      %add3A_122 = arith.constant 3 : i32
      %add3A_123 = arith.addi %add3A_102, %add3A_122 : i32
      %lt3A_124 = arith.constant 32 : i32
      %lt3A_125 = arith.cmpi slt, %add3A_123, %lt3A_124 : i32
      %convert_element_type3A_126 = arith.extui %lt3A_125 : i1 to i32
      %cond3A_127 = arith.constant 0 : i32
      %cond3A_128 = arith.cmpi ne, %convert_element_type3A_126, %cond3A_127 : i32
      scf.if %cond3A_128 {
        %mul3A_143 = arith.constant 16 : i32
        %mul3A_144 = arith.muli %add3A_123, %mul3A_143 : i32
        %dma_wait3A_145 = tpu.memref_slice %arg5[%mul3A_144] : memref<512xi32, #tpu.memory_space<vmem>> -> memref<16xi32, #tpu.memory_space<vmem>>
        %dma_wait3A_146 = arith.constant 0 : i32
        %dma_wait3A_147 = arith.constant 0 : i32
        %dma_wait3A_148 = tpu.memref_slice %arg3[%dma_wait3A_146, %dma_wait3A_147] : memref<100000x1024xf32, #tpu.memory_space<hbm>> -> memref<100000x1024xf32, #tpu.memory_space<hbm>>
        tpu.wait_indirect_dma semaphore(%arg15 : memref<!tpu.dma_semaphore, #tpu.memory_space<semaphore_mem>>) src(%dma_wait3A_148 : memref<100000x1024xf32, #tpu.memory_space<hbm>>) dst(%arg9 : memref<16x1024xf32, #tpu.memory_space<vmem>>)
        %parallel_loop3A = arith.constant 0 : i32
        %parallel_loop3A_149 = arith.constant 1024 : i32
        %parallel_loop3A_150 = arith.constant 1 : i32
        scf.for %parallel_loop3A_174 = %parallel_loop3A to %parallel_loop3A_149 step %parallel_loop3A_150  : i32 {
          %parallel_loop3A_175 = arith.constant 6 : i32
          %parallel_loop3A_176 = arith.shrui %parallel_loop3A_174, %parallel_loop3A_175 : i32
          %parallel_loop3A_177 = arith.constant 63 : i32
          %parallel_loop3A_178 = arith.andi %parallel_loop3A_174, %parallel_loop3A_177 : i32
          %parallel_loop3A_179 = arith.constant 16 : i32
          %parallel_loop3A_180 = arith.muli %parallel_loop3A_178, %parallel_loop3A_179 : i32
          %parallel_loop3A_181 = arith.index_cast %parallel_loop3A_176 : i32 to index
          %parallel_loop3A_182 = arith.index_cast %parallel_loop3A_180 : i32 to index
          %parallel_loop3A_183 = tpu.vector_load %arg9[%parallel_loop3A_181, %parallel_loop3A_182] {strides = array<i32>} : memref<16x1024xf32, #tpu.memory_space<vmem>>, vector<1x16xf32>,
          %parallel_loop3A_184 = vector.shape_cast %parallel_loop3A_183 : vector<1x16xf32> to vector<16xf32>
          %parallel_loop3A_185 = arith.constant 3.200000e+01 : f32
          %parallel_loop3A_186 = vector.broadcast %parallel_loop3A_185 : f32 to vector<16xf32>
          %parallel_loop3A_187 = arith.mulf %parallel_loop3A_184, %parallel_loop3A_186 : vector<16xf32>
          %parallel_loop3A_188 = arith.index_cast %parallel_loop3A_176 : i32 to index
          %parallel_loop3A_189 = arith.index_cast %parallel_loop3A_180 : i32 to index
          %parallel_loop3A_190 = tpu.vector_load %arg9[%parallel_loop3A_188, %parallel_loop3A_189] {strides = array<i32>} : memref<16x1024xf32, #tpu.memory_space<vmem>>, vector<1x16xf32>,
          %parallel_loop3A_191 = vector.shape_cast %parallel_loop3A_190 : vector<1x16xf32> to vector<16xf32>
          %parallel_loop3A_192 = vector.shape_cast %parallel_loop3A_187 : vector<16xf32> to vector<1x16xf32>
          tpu.vector_store %arg9[%parallel_loop3A_188, %parallel_loop3A_189], %parallel_loop3A_192 {strides = array<i32>} : memref<16x1024xf32, #tpu.memory_space<vmem>>, vector<1x16xf32>,
        } {sc.loop_unroll_factor = 8 : i64, sc.parallel_access}
        %mul3A_151 = arith.constant 16 : i32
        %mul3A_152 = arith.muli %add3A_123, %mul3A_151 : i32
        %add3A_153 = arith.addi %mul3A_2, %mul3A_152 : i32
        %dma_start3A_154 = arith.constant 0 : i32
        %dma_start3A_155 = tpu.memref_slice %arg4[%add3A_153, %dma_start3A_154] : memref<16384x1024xf32, #tpu.memory_space<hbm>> -> memref<16x1024xf32, #tpu.memory_space<hbm>>
        %dma_start3A_156 = arith.constant 0 : i32
        %dma_start3A_157 = tpu.memref_slice %arg4[%add3A_153, %dma_start3A_156] : memref<16384x1024xf32, #tpu.memory_space<hbm>> -> memref<16x1024xf32, #tpu.memory_space<hbm>>
        tpu.enqueue_dma source(%arg9 : memref<16x1024xf32, #tpu.memory_space<vmem>>) target(%dma_start3A_157 : memref<16x1024xf32, #tpu.memory_space<hbm>>) target_semaphore(%arg21 : memref<!tpu.dma_semaphore, #tpu.memory_space<semaphore_mem>>)
        %add3A_158 = arith.constant 6 : i32
        %add3A_159 = arith.addi %add3A_123, %add3A_158 : i32
        %sub3A_160 = arith.constant 1 : i32
        %sub3A_161 = arith.subi %add3A_159, %sub3A_160 : i32
        %ge3A = arith.constant 1 : i32
        %ge3A_162 = arith.cmpi sge, %add3A_123, %ge3A : i32
        %lt3A_163 = arith.constant 32 : i32
        %lt3A_164 = arith.cmpi slt, %sub3A_161, %lt3A_163 : i32
        %and3A_165 = arith.andi %ge3A_162, %lt3A_164 : i1
        %convert_element_type3A_166 = arith.extui %and3A_165 : i1 to i32
        %cond3A_167 = arith.constant 0 : i32
        %cond3A_168 = arith.cmpi ne, %convert_element_type3A_166, %cond3A_167 : i32
        scf.if %cond3A_168 {
          %sub3A_174 = arith.constant 1 : i32
          %sub3A_175 = arith.subi %add3A_123, %sub3A_174 : i32
          %mul3A_176 = arith.constant 16 : i32
          %mul3A_177 = arith.muli %sub3A_175, %mul3A_176 : i32
          %add3A_178 = arith.addi %mul3A_2, %mul3A_177 : i32
          %dma_wait3A_179 = arith.constant 0 : i32
          %dma_wait3A_180 = tpu.memref_slice %arg4[%add3A_178, %dma_wait3A_179] : memref<16384x1024xf32, #tpu.memory_space<hbm>> -> memref<16x1024xf32, #tpu.memory_space<hbm>>
          %dma_wait3A_181 = arith.constant 0 : i32
          %dma_wait3A_182 = tpu.memref_slice %arg4[%add3A_178, %dma_wait3A_181] : memref<16384x1024xf32, #tpu.memory_space<hbm>> -> memref<16x1024xf32, #tpu.memory_space<hbm>>
          tpu.wait_dma2 semaphore(%arg20 : memref<!tpu.dma_semaphore, #tpu.memory_space<semaphore_mem>>) src(%arg8 : memref<16x1024xf32, #tpu.memory_space<vmem>>) dst(%dma_wait3A_182 : memref<16x1024xf32, #tpu.memory_space<hbm>>)
        } else {
        }
        %lt3A_169 = arith.constant 32 : i32
        %lt3A_170 = arith.cmpi slt, %sub3A_161, %lt3A_169 : i32
        %convert_element_type3A_171 = arith.extui %lt3A_170 : i1 to i32
        %cond3A_172 = arith.constant 0 : i32
        %cond3A_173 = arith.cmpi ne, %convert_element_type3A_171, %cond3A_172 : i32
        scf.if %cond3A_173 {
          %mul3A_174 = arith.constant 16 : i32
          %mul3A_175 = arith.muli %sub3A_161, %mul3A_174 : i32
          %dma_start3A_176 = tpu.memref_slice %arg5[%mul3A_175] : memref<512xi32, #tpu.memory_space<vmem>> -> memref<16xi32, #tpu.memory_space<vmem>>
          %dma_start3A_177 = arith.constant 0 : i32
          %dma_start3A_178 = arith.constant 0 : i32
          %dma_start3A_179 = tpu.memref_slice %arg3[%dma_start3A_177, %dma_start3A_178] : memref<100000x1024xf32, #tpu.memory_space<hbm>> -> memref<100000x1024xf32, #tpu.memory_space<hbm>>
          tpu.enqueue_indirect_dma source(%dma_start3A_179 : memref<100000x1024xf32, #tpu.memory_space<hbm>>) target(%arg8 : memref<16x1024xf32, #tpu.memory_space<vmem>>) offsets(%dma_start3A_176 : memref<16xi32, #tpu.memory_space<vmem>>) semaphore(%arg14 : memref<!tpu.dma_semaphore, #tpu.memory_space<semaphore_mem>>)
        } else {
        }
      } else {
      }
      %add3A_129 = arith.constant 4 : i32
      %add3A_130 = arith.addi %add3A_102, %add3A_129 : i32
      %lt3A_131 = arith.constant 32 : i32
      %lt3A_132 = arith.cmpi slt, %add3A_130, %lt3A_131 : i32
      %convert_element_type3A_133 = arith.extui %lt3A_132 : i1 to i32
      %cond3A_134 = arith.constant 0 : i32
      %cond3A_135 = arith.cmpi ne, %convert_element_type3A_133, %cond3A_134 : i32
      scf.if %cond3A_135 {
        %mul3A_143 = arith.constant 16 : i32
        %mul3A_144 = arith.muli %add3A_130, %mul3A_143 : i32
        %dma_wait3A_145 = tpu.memref_slice %arg5[%mul3A_144] : memref<512xi32, #tpu.memory_space<vmem>> -> memref<16xi32, #tpu.memory_space<vmem>>
        %dma_wait3A_146 = arith.constant 0 : i32
        %dma_wait3A_147 = arith.constant 0 : i32
        %dma_wait3A_148 = tpu.memref_slice %arg3[%dma_wait3A_146, %dma_wait3A_147] : memref<100000x1024xf32, #tpu.memory_space<hbm>> -> memref<100000x1024xf32, #tpu.memory_space<hbm>>
        tpu.wait_indirect_dma semaphore(%arg16 : memref<!tpu.dma_semaphore, #tpu.memory_space<semaphore_mem>>) src(%dma_wait3A_148 : memref<100000x1024xf32, #tpu.memory_space<hbm>>) dst(%arg10 : memref<16x1024xf32, #tpu.memory_space<vmem>>)
        %parallel_loop3A = arith.constant 0 : i32
        %parallel_loop3A_149 = arith.constant 1024 : i32
        %parallel_loop3A_150 = arith.constant 1 : i32
        scf.for %parallel_loop3A_174 = %parallel_loop3A to %parallel_loop3A_149 step %parallel_loop3A_150  : i32 {
          %parallel_loop3A_175 = arith.constant 6 : i32
          %parallel_loop3A_176 = arith.shrui %parallel_loop3A_174, %parallel_loop3A_175 : i32
          %parallel_loop3A_177 = arith.constant 63 : i32
          %parallel_loop3A_178 = arith.andi %parallel_loop3A_174, %parallel_loop3A_177 : i32
          %parallel_loop3A_179 = arith.constant 16 : i32
          %parallel_loop3A_180 = arith.muli %parallel_loop3A_178, %parallel_loop3A_179 : i32
          %parallel_loop3A_181 = arith.index_cast %parallel_loop3A_176 : i32 to index
          %parallel_loop3A_182 = arith.index_cast %parallel_loop3A_180 : i32 to index
          %parallel_loop3A_183 = tpu.vector_load %arg10[%parallel_loop3A_181, %parallel_loop3A_182] {strides = array<i32>} : memref<16x1024xf32, #tpu.memory_space<vmem>>, vector<1x16xf32>,
          %parallel_loop3A_184 = vector.shape_cast %parallel_loop3A_183 : vector<1x16xf32> to vector<16xf32>
          %parallel_loop3A_185 = arith.constant 3.200000e+01 : f32
          %parallel_loop3A_186 = vector.broadcast %parallel_loop3A_185 : f32 to vector<16xf32>
          %parallel_loop3A_187 = arith.mulf %parallel_loop3A_184, %parallel_loop3A_186 : vector<16xf32>
          %parallel_loop3A_188 = arith.index_cast %parallel_loop3A_176 : i32 to index
          %parallel_loop3A_189 = arith.index_cast %parallel_loop3A_180 : i32 to index
          %parallel_loop3A_190 = tpu.vector_load %arg10[%parallel_loop3A_188, %parallel_loop3A_189] {strides = array<i32>} : memref<16x1024xf32, #tpu.memory_space<vmem>>, vector<1x16xf32>,
          %parallel_loop3A_191 = vector.shape_cast %parallel_loop3A_190 : vector<1x16xf32> to vector<16xf32>
          %parallel_loop3A_192 = vector.shape_cast %parallel_loop3A_187 : vector<16xf32> to vector<1x16xf32>
          tpu.vector_store %arg10[%parallel_loop3A_188, %parallel_loop3A_189], %parallel_loop3A_192 {strides = array<i32>} : memref<16x1024xf32, #tpu.memory_space<vmem>>, vector<1x16xf32>,
        } {sc.loop_unroll_factor = 8 : i64, sc.parallel_access}
        %mul3A_151 = arith.constant 16 : i32
        %mul3A_152 = arith.muli %add3A_130, %mul3A_151 : i32
        %add3A_153 = arith.addi %mul3A_2, %mul3A_152 : i32
        %dma_start3A_154 = arith.constant 0 : i32
        %dma_start3A_155 = tpu.memref_slice %arg4[%add3A_153, %dma_start3A_154] : memref<16384x1024xf32, #tpu.memory_space<hbm>> -> memref<16x1024xf32, #tpu.memory_space<hbm>>
        %dma_start3A_156 = arith.constant 0 : i32
        %dma_start3A_157 = tpu.memref_slice %arg4[%add3A_153, %dma_start3A_156] : memref<16384x1024xf32, #tpu.memory_space<hbm>> -> memref<16x1024xf32, #tpu.memory_space<hbm>>
        tpu.enqueue_dma source(%arg10 : memref<16x1024xf32, #tpu.memory_space<vmem>>) target(%dma_start3A_157 : memref<16x1024xf32, #tpu.memory_space<hbm>>) target_semaphore(%arg22 : memref<!tpu.dma_semaphore, #tpu.memory_space<semaphore_mem>>)
        %add3A_158 = arith.constant 6 : i32
        %add3A_159 = arith.addi %add3A_130, %add3A_158 : i32
        %sub3A_160 = arith.constant 1 : i32
        %sub3A_161 = arith.subi %add3A_159, %sub3A_160 : i32
        %ge3A = arith.constant 1 : i32
        %ge3A_162 = arith.cmpi sge, %add3A_130, %ge3A : i32
        %lt3A_163 = arith.constant 32 : i32
        %lt3A_164 = arith.cmpi slt, %sub3A_161, %lt3A_163 : i32
        %and3A_165 = arith.andi %ge3A_162, %lt3A_164 : i1
        %convert_element_type3A_166 = arith.extui %and3A_165 : i1 to i32
        %cond3A_167 = arith.constant 0 : i32
        %cond3A_168 = arith.cmpi ne, %convert_element_type3A_166, %cond3A_167 : i32
        scf.if %cond3A_168 {
          %sub3A_174 = arith.constant 1 : i32
          %sub3A_175 = arith.subi %add3A_130, %sub3A_174 : i32
          %mul3A_176 = arith.constant 16 : i32
          %mul3A_177 = arith.muli %sub3A_175, %mul3A_176 : i32
          %add3A_178 = arith.addi %mul3A_2, %mul3A_177 : i32
          %dma_wait3A_179 = arith.constant 0 : i32
          %dma_wait3A_180 = tpu.memref_slice %arg4[%add3A_178, %dma_wait3A_179] : memref<16384x1024xf32, #tpu.memory_space<hbm>> -> memref<16x1024xf32, #tpu.memory_space<hbm>>
          %dma_wait3A_181 = arith.constant 0 : i32
          %dma_wait3A_182 = tpu.memref_slice %arg4[%add3A_178, %dma_wait3A_181] : memref<16384x1024xf32, #tpu.memory_space<hbm>> -> memref<16x1024xf32, #tpu.memory_space<hbm>>
          tpu.wait_dma2 semaphore(%arg21 : memref<!tpu.dma_semaphore, #tpu.memory_space<semaphore_mem>>) src(%arg9 : memref<16x1024xf32, #tpu.memory_space<vmem>>) dst(%dma_wait3A_182 : memref<16x1024xf32, #tpu.memory_space<hbm>>)
        } else {
        }
        %lt3A_169 = arith.constant 32 : i32
        %lt3A_170 = arith.cmpi slt, %sub3A_161, %lt3A_169 : i32
        %convert_element_type3A_171 = arith.extui %lt3A_170 : i1 to i32
        %cond3A_172 = arith.constant 0 : i32
        %cond3A_173 = arith.cmpi ne, %convert_element_type3A_171, %cond3A_172 : i32
        scf.if %cond3A_173 {
          %mul3A_174 = arith.constant 16 : i32
          %mul3A_175 = arith.muli %sub3A_161, %mul3A_174 : i32
          %dma_start3A_176 = tpu.memref_slice %arg5[%mul3A_175] : memref<512xi32, #tpu.memory_space<vmem>> -> memref<16xi32, #tpu.memory_space<vmem>>
          %dma_start3A_177 = arith.constant 0 : i32
          %dma_start3A_178 = arith.constant 0 : i32
          %dma_start3A_179 = tpu.memref_slice %arg3[%dma_start3A_177, %dma_start3A_178] : memref<100000x1024xf32, #tpu.memory_space<hbm>> -> memref<100000x1024xf32, #tpu.memory_space<hbm>>
          tpu.enqueue_indirect_dma source(%dma_start3A_179 : memref<100000x1024xf32, #tpu.memory_space<hbm>>) target(%arg9 : memref<16x1024xf32, #tpu.memory_space<vmem>>) offsets(%dma_start3A_176 : memref<16xi32, #tpu.memory_space<vmem>>) semaphore(%arg15 : memref<!tpu.dma_semaphore, #tpu.memory_space<semaphore_mem>>)
        } else {
        }
      } else {
      }
      %add3A_136 = arith.constant 5 : i32
      %add3A_137 = arith.addi %add3A_102, %add3A_136 : i32
      %lt3A_138 = arith.constant 32 : i32
      %lt3A_139 = arith.cmpi slt, %add3A_137, %lt3A_138 : i32
      %convert_element_type3A_140 = arith.extui %lt3A_139 : i1 to i32
      %cond3A_141 = arith.constant 0 : i32
      %cond3A_142 = arith.cmpi ne, %convert_element_type3A_140, %cond3A_141 : i32
      scf.if %cond3A_142 {
        %mul3A_143 = arith.constant 16 : i32
        %mul3A_144 = arith.muli %add3A_137, %mul3A_143 : i32
        %dma_wait3A_145 = tpu.memref_slice %arg5[%mul3A_144] : memref<512xi32, #tpu.memory_space<vmem>> -> memref<16xi32, #tpu.memory_space<vmem>>
        %dma_wait3A_146 = arith.constant 0 : i32
        %dma_wait3A_147 = arith.constant 0 : i32
        %dma_wait3A_148 = tpu.memref_slice %arg3[%dma_wait3A_146, %dma_wait3A_147] : memref<100000x1024xf32, #tpu.memory_space<hbm>> -> memref<100000x1024xf32, #tpu.memory_space<hbm>>
        tpu.wait_indirect_dma semaphore(%arg17 : memref<!tpu.dma_semaphore, #tpu.memory_space<semaphore_mem>>) src(%dma_wait3A_148 : memref<100000x1024xf32, #tpu.memory_space<hbm>>) dst(%arg11 : memref<16x1024xf32, #tpu.memory_space<vmem>>)
        %parallel_loop3A = arith.constant 0 : i32
        %parallel_loop3A_149 = arith.constant 1024 : i32
        %parallel_loop3A_150 = arith.constant 1 : i32
        scf.for %parallel_loop3A_174 = %parallel_loop3A to %parallel_loop3A_149 step %parallel_loop3A_150  : i32 {
          %parallel_loop3A_175 = arith.constant 6 : i32
          %parallel_loop3A_176 = arith.shrui %parallel_loop3A_174, %parallel_loop3A_175 : i32
          %parallel_loop3A_177 = arith.constant 63 : i32
          %parallel_loop3A_178 = arith.andi %parallel_loop3A_174, %parallel_loop3A_177 : i32
          %parallel_loop3A_179 = arith.constant 16 : i32
          %parallel_loop3A_180 = arith.muli %parallel_loop3A_178, %parallel_loop3A_179 : i32
          %parallel_loop3A_181 = arith.index_cast %parallel_loop3A_176 : i32 to index
          %parallel_loop3A_182 = arith.index_cast %parallel_loop3A_180 : i32 to index
          %parallel_loop3A_183 = tpu.vector_load %arg11[%parallel_loop3A_181, %parallel_loop3A_182] {strides = array<i32>} : memref<16x1024xf32, #tpu.memory_space<vmem>>, vector<1x16xf32>,
          %parallel_loop3A_184 = vector.shape_cast %parallel_loop3A_183 : vector<1x16xf32> to vector<16xf32>
          %parallel_loop3A_185 = arith.constant 3.200000e+01 : f32
          %parallel_loop3A_186 = vector.broadcast %parallel_loop3A_185 : f32 to vector<16xf32>
          %parallel_loop3A_187 = arith.mulf %parallel_loop3A_184, %parallel_loop3A_186 : vector<16xf32>
          %parallel_loop3A_188 = arith.index_cast %parallel_loop3A_176 : i32 to index
          %parallel_loop3A_189 = arith.index_cast %parallel_loop3A_180 : i32 to index
          %parallel_loop3A_190 = tpu.vector_load %arg11[%parallel_loop3A_188, %parallel_loop3A_189] {strides = array<i32>} : memref<16x1024xf32, #tpu.memory_space<vmem>>, vector<1x16xf32>,
          %parallel_loop3A_191 = vector.shape_cast %parallel_loop3A_190 : vector<1x16xf32> to vector<16xf32>
          %parallel_loop3A_192 = vector.shape_cast %parallel_loop3A_187 : vector<16xf32> to vector<1x16xf32>
          tpu.vector_store %arg11[%parallel_loop3A_188, %parallel_loop3A_189], %parallel_loop3A_192 {strides = array<i32>} : memref<16x1024xf32, #tpu.memory_space<vmem>>, vector<1x16xf32>,
        } {sc.loop_unroll_factor = 8 : i64, sc.parallel_access}
        %mul3A_151 = arith.constant 16 : i32
        %mul3A_152 = arith.muli %add3A_137, %mul3A_151 : i32
        %add3A_153 = arith.addi %mul3A_2, %mul3A_152 : i32
        %dma_start3A_154 = arith.constant 0 : i32
        %dma_start3A_155 = tpu.memref_slice %arg4[%add3A_153, %dma_start3A_154] : memref<16384x1024xf32, #tpu.memory_space<hbm>> -> memref<16x1024xf32, #tpu.memory_space<hbm>>
        %dma_start3A_156 = arith.constant 0 : i32
        %dma_start3A_157 = tpu.memref_slice %arg4[%add3A_153, %dma_start3A_156] : memref<16384x1024xf32, #tpu.memory_space<hbm>> -> memref<16x1024xf32, #tpu.memory_space<hbm>>
        tpu.enqueue_dma source(%arg11 : memref<16x1024xf32, #tpu.memory_space<vmem>>) target(%dma_start3A_157 : memref<16x1024xf32, #tpu.memory_space<hbm>>) target_semaphore(%arg23 : memref<!tpu.dma_semaphore, #tpu.memory_space<semaphore_mem>>)
        %add3A_158 = arith.constant 6 : i32
        %add3A_159 = arith.addi %add3A_137, %add3A_158 : i32
        %sub3A_160 = arith.constant 1 : i32
        %sub3A_161 = arith.subi %add3A_159, %sub3A_160 : i32
        %ge3A = arith.constant 1 : i32
        %ge3A_162 = arith.cmpi sge, %add3A_137, %ge3A : i32
        %lt3A_163 = arith.constant 32 : i32
        %lt3A_164 = arith.cmpi slt, %sub3A_161, %lt3A_163 : i32
        %and3A_165 = arith.andi %ge3A_162, %lt3A_164 : i1
        %convert_element_type3A_166 = arith.extui %and3A_165 : i1 to i32
        %cond3A_167 = arith.constant 0 : i32
        %cond3A_168 = arith.cmpi ne, %convert_element_type3A_166, %cond3A_167 : i32
        scf.if %cond3A_168 {
          %sub3A_174 = arith.constant 1 : i32
          %sub3A_175 = arith.subi %add3A_137, %sub3A_174 : i32
          %mul3A_176 = arith.constant 16 : i32
          %mul3A_177 = arith.muli %sub3A_175, %mul3A_176 : i32
          %add3A_178 = arith.addi %mul3A_2, %mul3A_177 : i32
          %dma_wait3A_179 = arith.constant 0 : i32
          %dma_wait3A_180 = tpu.memref_slice %arg4[%add3A_178, %dma_wait3A_179] : memref<16384x1024xf32, #tpu.memory_space<hbm>> -> memref<16x1024xf32, #tpu.memory_space<hbm>>
          %dma_wait3A_181 = arith.constant 0 : i32
          %dma_wait3A_182 = tpu.memref_slice %arg4[%add3A_178, %dma_wait3A_181] : memref<16384x1024xf32, #tpu.memory_space<hbm>> -> memref<16x1024xf32, #tpu.memory_space<hbm>>
          tpu.wait_dma2 semaphore(%arg22 : memref<!tpu.dma_semaphore, #tpu.memory_space<semaphore_mem>>) src(%arg10 : memref<16x1024xf32, #tpu.memory_space<vmem>>) dst(%dma_wait3A_182 : memref<16x1024xf32, #tpu.memory_space<hbm>>)
        } else {
        }
        %lt3A_169 = arith.constant 32 : i32
        %lt3A_170 = arith.cmpi slt, %sub3A_161, %lt3A_169 : i32
        %convert_element_type3A_171 = arith.extui %lt3A_170 : i1 to i32
        %cond3A_172 = arith.constant 0 : i32
        %cond3A_173 = arith.cmpi ne, %convert_element_type3A_171, %cond3A_172 : i32
        scf.if %cond3A_173 {
          %mul3A_174 = arith.constant 16 : i32
          %mul3A_175 = arith.muli %sub3A_161, %mul3A_174 : i32
          %dma_start3A_176 = tpu.memref_slice %arg5[%mul3A_175] : memref<512xi32, #tpu.memory_space<vmem>> -> memref<16xi32, #tpu.memory_space<vmem>>
          %dma_start3A_177 = arith.constant 0 : i32
          %dma_start3A_178 = arith.constant 0 : i32
          %dma_start3A_179 = tpu.memref_slice %arg3[%dma_start3A_177, %dma_start3A_178] : memref<100000x1024xf32, #tpu.memory_space<hbm>> -> memref<100000x1024xf32, #tpu.memory_space<hbm>>
          tpu.enqueue_indirect_dma source(%dma_start3A_179 : memref<100000x1024xf32, #tpu.memory_space<hbm>>) target(%arg10 : memref<16x1024xf32, #tpu.memory_space<vmem>>) offsets(%dma_start3A_176 : memref<16xi32, #tpu.memory_space<vmem>>) semaphore(%arg16 : memref<!tpu.dma_semaphore, #tpu.memory_space<semaphore_mem>>)
        } else {
        }
      } else {
      }
    }
    %scan3A_62 = arith.constant 6 : i32
    %add3A_63 = arith.constant 416 : i32
    %add3A_64 = arith.addi %mul3A_2, %add3A_63 : i32
    %dma_wait3A = arith.constant 0 : i32
    %dma_wait3A_65 = tpu.memref_slice %arg4[%add3A_64, %dma_wait3A] : memref<16384x1024xf32, #tpu.memory_space<hbm>> -> memref<16x1024xf32, #tpu.memory_space<hbm>>
    %dma_wait3A_66 = arith.constant 0 : i32
    %dma_wait3A_67 = tpu.memref_slice %arg4[%add3A_64, %dma_wait3A_66] : memref<16384x1024xf32, #tpu.memory_space<hbm>> -> memref<16x1024xf32, #tpu.memory_space<hbm>>
    tpu.wait_dma2 semaphore(%arg20 : memref<!tpu.dma_semaphore, #tpu.memory_space<semaphore_mem>>) src(%arg8 : memref<16x1024xf32, #tpu.memory_space<vmem>>) dst(%dma_wait3A_67 : memref<16x1024xf32, #tpu.memory_space<hbm>>)
    %add3A_68 = arith.constant 432 : i32
    %add3A_69 = arith.addi %mul3A_2, %add3A_68 : i32
    %dma_wait3A_70 = arith.constant 0 : i32
    %dma_wait3A_71 = tpu.memref_slice %arg4[%add3A_69, %dma_wait3A_70] : memref<16384x1024xf32, #tpu.memory_space<hbm>> -> memref<16x1024xf32, #tpu.memory_space<hbm>>
    %dma_wait3A_72 = arith.constant 0 : i32
    %dma_wait3A_73 = tpu.memref_slice %arg4[%add3A_69, %dma_wait3A_72] : memref<16384x1024xf32, #tpu.memory_space<hbm>> -> memref<16x1024xf32, #tpu.memory_space<hbm>>
    tpu.wait_dma2 semaphore(%arg21 : memref<!tpu.dma_semaphore, #tpu.memory_space<semaphore_mem>>) src(%arg9 : memref<16x1024xf32, #tpu.memory_space<vmem>>) dst(%dma_wait3A_73 : memref<16x1024xf32, #tpu.memory_space<hbm>>)
    %add3A_74 = arith.constant 448 : i32
    %add3A_75 = arith.addi %mul3A_2, %add3A_74 : i32
    %dma_wait3A_76 = arith.constant 0 : i32
    %dma_wait3A_77 = tpu.memref_slice %arg4[%add3A_75, %dma_wait3A_76] : memref<16384x1024xf32, #tpu.memory_space<hbm>> -> memref<16x1024xf32, #tpu.memory_space<hbm>>
    %dma_wait3A_78 = arith.constant 0 : i32
    %dma_wait3A_79 = tpu.memref_slice %arg4[%add3A_75, %dma_wait3A_78] : memref<16384x1024xf32, #tpu.memory_space<hbm>> -> memref<16x1024xf32, #tpu.memory_space<hbm>>
    tpu.wait_dma2 semaphore(%arg22 : memref<!tpu.dma_semaphore, #tpu.memory_space<semaphore_mem>>) src(%arg10 : memref<16x1024xf32, #tpu.memory_space<vmem>>) dst(%dma_wait3A_79 : memref<16x1024xf32, #tpu.memory_space<hbm>>)
    %add3A_80 = arith.constant 464 : i32
    %add3A_81 = arith.addi %mul3A_2, %add3A_80 : i32
    %dma_wait3A_82 = arith.constant 0 : i32
    %dma_wait3A_83 = tpu.memref_slice %arg4[%add3A_81, %dma_wait3A_82] : memref<16384x1024xf32, #tpu.memory_space<hbm>> -> memref<16x1024xf32, #tpu.memory_space<hbm>>
    %dma_wait3A_84 = arith.constant 0 : i32
    %dma_wait3A_85 = tpu.memref_slice %arg4[%add3A_81, %dma_wait3A_84] : memref<16384x1024xf32, #tpu.memory_space<hbm>> -> memref<16x1024xf32, #tpu.memory_space<hbm>>
    tpu.wait_dma2 semaphore(%arg23 : memref<!tpu.dma_semaphore, #tpu.memory_space<semaphore_mem>>) src(%arg11 : memref<16x1024xf32, #tpu.memory_space<vmem>>) dst(%dma_wait3A_85 : memref<16x1024xf32, #tpu.memory_space<hbm>>)
    %add3A_86 = arith.constant 480 : i32
    %add3A_87 = arith.addi %mul3A_2, %add3A_86 : i32
    %dma_wait3A_88 = arith.constant 0 : i32
    %dma_wait3A_89 = tpu.memref_slice %arg4[%add3A_87, %dma_wait3A_88] : memref<16384x1024xf32, #tpu.memory_space<hbm>> -> memref<16x1024xf32, #tpu.memory_space<hbm>>
    %dma_wait3A_90 = arith.constant 0 : i32
    %dma_wait3A_91 = tpu.memref_slice %arg4[%add3A_87, %dma_wait3A_90] : memref<16384x1024xf32, #tpu.memory_space<hbm>> -> memref<16x1024xf32, #tpu.memory_space<hbm>>
    tpu.wait_dma2 semaphore(%arg18 : memref<!tpu.dma_semaphore, #tpu.memory_space<semaphore_mem>>) src(%arg6 : memref<16x1024xf32, #tpu.memory_space<vmem>>) dst(%dma_wait3A_91 : memref<16x1024xf32, #tpu.memory_space<hbm>>)
    %add3A_92 = arith.constant 496 : i32
    %add3A_93 = arith.addi %mul3A_2, %add3A_92 : i32
    %dma_wait3A_94 = arith.constant 0 : i32
    %dma_wait3A_95 = tpu.memref_slice %arg4[%add3A_93, %dma_wait3A_94] : memref<16384x1024xf32, #tpu.memory_space<hbm>> -> memref<16x1024xf32, #tpu.memory_space<hbm>>
    %dma_wait3A_96 = arith.constant 0 : i32
    %dma_wait3A_97 = tpu.memref_slice %arg4[%add3A_93, %dma_wait3A_96] : memref<16384x1024xf32, #tpu.memory_space<hbm>> -> memref<16x1024xf32, #tpu.memory_space<hbm>>
    tpu.wait_dma2 semaphore(%arg19 : memref<!tpu.dma_semaphore, #tpu.memory_space<semaphore_mem>>) src(%arg7 : memref<16x1024xf32, #tpu.memory_space<vmem>>) dst(%dma_wait3A_97 : memref<16x1024xf32, #tpu.memory_space<hbm>>)
    return
  }
}

</mosaic_0001>

<sc_bundles>
// kernel: kernel.3.cloned.1.call-start
scs
__scs_entry_jumppad:
0x0: {  	(pc) =	sbr.rel $0x88, $3  }
0x1: {  	(tag) =	ssettag $0x0;
	lr =	simm.s32 $0x1  }
0x2: {  	[smem:$0x3F9F] =	sst lr;
	_ =	strace $0xD0000000  }
0x3: {  	_ = 	snop  }
0x4: {  	_ = 	snop  }
0x5: {  	_ = 	snop  }
0x6: {  	_ = 	snop  }
0x7: {  	_ = 	snop  }
__scs_overlays_trampoline_lowered:
0x8: {  	[smem:$0x3FAE] =	sst s0  }
0x9: {  	[smem:$0x3FAF] =	sst s1  }
0xa: {  	[smem:$0x3FB0] =	sst s2  }
0xb: {  	[smem:$0x3FB1] =	sst s3  }
0xc: {  	[smem:$0x3FB2] =	sst s4  }
0xd: {  	[smem:$0x3FB3] =	sst s5  }
0xe: {  	[smem:$0x3FB4] =	sst s6  }
0xf: {  	[smem:$0x3FB5] =	sst s7  }
0x10: {  	[smem:$0x3FB6] =	sst s8  }
0x11: {  	[smem:$0x3FB7] =	sst s9;
	s0 =	simm.s32 @!p0 $0x0  }
0x12: {  	s1 =	sld [smem:$0x3F9D];
	s0 =	simm.s32 @p0 $0x1  }
0x13: {  	[smem:$0x3FB8] =	sst s0;
	s0 =	simm.s32 @!p1 $0x0  }
0x14: {  	s2 =	sld [smem:$0x3F9C];
	s0 =	simm.s32 @p1 $0x1  }
0x15: {  	[smem:$0x3FB9] =	sst s0;
	s0 =	simm.s32 @!p2 $0x0  }
0x16: {  	s3 =	sld [smem:$0x3FDB];
	s0 =	simm.s32 @p2 $0x1  }
0x17: {  	s4 =	simm.s32 $0x1BF5;
	[smem:$0x3FBB] =	sst s0  }
0x18: {  	s0 =	sld [smem:$0x3F9E];
	_ =	swait.ge [sflag:s4], $0x0  }
0x19: {  	s7 =	sld [smem:$0x3F9F]  }
0x1a: {  	s8 =	sadd.s32 $0xFFFFE003, lr  }
0x1b: {  	s9 =	sadd.s32 $0xFFFFFEF7, lr;
	s5 =	simm.s32 $0xFFFFFFFF;
	p2 =	slt.u32 s8, $0xFFFFF086  }
0x1c: {  	p1 =	slt.u32 s9, $0xF7A;
	s5 =	simm.s32 @!p2 $0x0  }
0x1d: {  	s5 =	simm.s32 @p1 $0x1;
	p0 =	seq.s32 s7, s2  }
0x1e: {  	s7 =	smul.u32 @!p0 $0xF7A, s2;
	p2 =	seq.s32 @!p0 s5, $0x0  }
0x1f: {  	s9 =	smul.u32 $0xF7A, s1;
	s8 =	simm.s32 @!p0 $0x1BF5;
	p2 =	por !p2, p0  }
0x20: {  	[sflag:s8] =	ssyncset.s32 @!p0 $0xFFFFF086;
	s6 =	sadd.s32 @!p0 s3, s7;
	s7 =	simm.s32 @!p0 $0x108  }
0x21: {  	s3 =	sadd.s32 s3, s9;
	s6 =	sadd.s32 @!p0 $0x88, s6;
	s7 =	simm.s32 @p2 $0x1082  }
0x22: {  	[simem:s7], [sflag:s8] =	dma.local @!p0 [hbm:s6], $0xF7A  }
0x23: {  	s9 =	sor.u32 $0xD0000000, s2;
	s6 =	simm.s32 $0x108;
	_ =	swait.ge @!p0 [sflag:s8], $0x0  }
0x24: {  	s3 =	sadd.s32 $0x88, s3;
	s6 =	simm.s32 @!p1 $0x1082;
	[sflag:s4] =	ssyncset.s32 $0xFFFFF086  }
0x25: {  	[simem:s6], [sflag:s4] =	dma.local [hbm:s3], $0xF7A  }
0x26: {  	[smem:$0x3F9F] =	sst s1;
	(tag) =	ssettag s2;
	_ =	strace s9  }
0x27: {  	s1 =	sld [smem:$0x3FAF]  }
0x28: {  	s2 =	sld [smem:$0x3FB0]  }
0x29: {  	s4 =	sld [smem:$0x3FB2]  }
0x2a: {  	p0 =	seq.s32 s5, $0x0;
	s5 =	sld [smem:$0x3FB3]  }
0x2b: {  	s6 =	sld [smem:$0x3FB4]  }
0x2c: {  	s7 =	sld [smem:$0x3FB5]  }
0x2d: {  	s3 =	simm.s32 $0x108;
	s8 =	sld [smem:$0x3FB6]  }
0x2e: {  	s3 =	simm.s32 @!p0 $0x1082;
	s9 =	sld [smem:$0x3FB7]  }
0x2f: {  	lr =	sadd.s32 s0, s3;
	s0 =	sld [smem:$0x3FAE]  }
0x30: {  	s3 =	sld [smem:$0x3FB1]  }
0x31: {  	[smem:$0x3FBA] =	sst s10  }
0x32: {  	s10 =	sld [smem:$0x3FB8];
	_ =	sdelay $0x3  }
0x33: {  	p0 =	seq.s32 s10, $0x1;
	s10 =	sld [smem:$0x3FBA];
	_ =	sdelay $0x3  }
0x34: {  	[smem:$0x3FBA] =	sst s10  }
0x35: {  	s10 =	sld [smem:$0x3FB9];
	_ =	sdelay $0x3  }
0x36: {  	p1 =	seq.s32 s10, $0x1;
	s10 =	sld [smem:$0x3FBA];
	_ =	sdelay $0x3  }
0x37: {  	[smem:$0x3FBA] =	sst s10  }
0x38: {  	s10 =	sld [smem:$0x3FBB]  }
0x39: {  	_ = 	snop;
	(pc) =	sbr.ind lr, $3  }
0x3a: {  	_ = 	snop  }
0x3b: {  	_ = 	snop  }
0x3c: {  	p2 =	seq.s32 s10, $0x1;
	s10 =	sld [smem:$0x3FBA]  }
0x3d: {  	_ =	shalt  }
0x3e: {  	_ =	shalt  }
0x3f: {  	_ =	shalt  }
0x40: {  	_ =	shalt  }
0x41: {  	_ =	shalt  }
0x42: {  	_ =	shalt  }
0x43: {  	_ =	shalt  }
0x44: {  	_ =	shalt  }
0x45: {  	_ =	shalt  }
0x46: {  	_ =	shalt  }
0x47: {  	_ =	shalt  }
0x48: {  	_ =	shalt  }
0x49: {  	_ =	shalt  }
0x4a: {  	_ =	shalt  }
0x4b: {  	_ =	shalt  }
0x4c: {  	_ =	shalt  }
0x4d: {  	_ =	shalt  }
0x4e: {  	_ =	shalt  }
0x4f: {  	_ =	shalt  }
0x50: {  	_ =	shalt  }
0x51: {  	_ =	shalt  }
0x52: {  	_ =	shalt  }
0x53: {  	_ =	shalt  }
0x54: {  	_ =	shalt  }
0x55: {  	_ =	shalt  }
0x56: {  	_ =	shalt  }
0x57: {  	_ =	shalt  }
0x58: {  	_ =	shalt  }
0x59: {  	_ =	shalt  }
0x5a: {  	_ =	shalt  }
0x5b: {  	_ =	shalt  }
0x5c: {  	_ =	shalt  }
0x5d: {  	_ =	shalt  }
0x5e: {  	_ =	shalt  }
0x5f: {  	_ =	shalt  }
0x60: {  	_ =	shalt  }
0x61: {  	_ =	shalt  }
0x62: {  	_ =	shalt  }
0x63: {  	_ =	shalt  }
0x64: {  	_ =	shalt  }
0x65: {  	_ =	shalt  }
0x66: {  	_ =	shalt  }
0x67: {  	_ =	shalt  }
0x68: {  	_ =	shalt  }
0x69: {  	_ =	shalt  }
0x6a: {  	_ =	shalt  }
0x6b: {  	_ =	shalt  }
0x6c: {  	_ =	shalt  }
0x6d: {  	_ =	shalt  }
0x6e: {  	_ =	shalt  }
0x6f: {  	_ =	shalt  }
0x70: {  	_ =	shalt  }
0x71: {  	_ =	shalt  }
0x72: {  	_ =	shalt  }
0x73: {  	_ =	shalt  }
0x74: {  	_ =	shalt  }
0x75: {  	_ =	shalt  }
0x76: {  	_ =	shalt  }
0x77: {  	_ =	shalt  }
0x78: {  	_ =	shalt  }
0x79: {  	_ =	shalt  }
0x7a: {  	_ =	shalt  }
0x7b: {  	_ =	shalt  }
0x7c: {  	_ =	shalt  }
0x7d: {  	_ =	shalt  }
0x7e: {  	_ =	shalt  }
0x7f: {  	_ =	shalt  }
0x80: {  	_ =	shalt  }
0x81: {  	_ =	shalt  }
0x82: {  	_ =	shalt  }
0x83: {  	_ =	shalt  }
0x84: {  	_ =	shalt  }
0x85: {  	_ =	shalt  }
0x86: {  	_ =	shalt  }
0x87: {  	_ =	shalt  }
.Lfunc_end0:
.L_simem_size_0:
called_computation_lowered:
.L_overlay_start_0:
0x88: {  	s2 =	sld [smem:$0x3FD9]  }
0x89: {  	s3 =	sld [smem:$0x3FFE];
	_ =	sdelay $0x1  }
0x8a: {  	s1 =	srdreg.scid  }
0x8b: {  	s0 =	sand.u32 $0x1, s1  }
0x8c: {  	s18 =	sshll.u32 s0, $0xA;
	s2 =	sadd.s32 s3, s2  }
0x8d: {  	s2 =	sadd.s32 s2, s18  }
0x8e: {  	[smem:$0x3FC6] =	sst s2  }
0x8f: {  	_ = 	snop  }
0x90: {  	s2 =	sld [smem:$0x3FC9]  }
0x91: {  	s19 =	sld [smem:$0x3FC8]  }
0x92: {  	s4 =	sld [smem:$0x3FD0];
	(tm) =	ssettm $0x1  }
0x93: {  	s5 =	sld [smem:$0x3FFB];
	_ =	sdelay $0x3  }
0x94: {  	_ =	strace s5  }
0x95: {  	s5 =	sld [smem:$0x3FFC];
	_ =	sdelay $0x3  }
0x96: {  	_ =	strace s5  }
0x97: {  	s5 =	sld [smem:$0x3FFD];
	_ =	sdelay $0x3  }
0x98: {  	_ =	strace s5  }
0x99: {  	_ =	strace $0x8FFFFFFF  }
0x9a: {  	s20 =	sld [smem:$0x3FDB];
	_ =	sdelay $0x1  }
0x9b: {  	s6 =	simm.s32 $_scs_section_size  }
0x9c: {  	s7 =	simm.s32 $_size__tile_overlayer_lowered;
	s8 =	simm.s32 $_tile_overlayer_lowered  }
0x9d: {  	s23 =	simm.s32 $0x1BFF;
	s22 =	sshll.u32 s8, $0x1;
	s5 =	sadd.s32 s6, s20  }
0x9e: {  	s9 =	simm.s32 $0x0;
	s21 =	sshll.u32 s7, $0x1;
	s7 =	sadd.s32 s22, s5  }
0x9f: {  	[timem:s9], [sflag:s23] =	dma.local [hbm:s7], s21  }
0xa0: {  	_ =	swait.ge [sflag:s23], s21  }
0xa1: {  	s6 =	ssub.s32 $0x0, s21;
	[sflag:s23] =	ssyncset.done $0x0  }
0xa2: {  	[sflag:s23] =	ssyncadd.s32 s6;
	_ =	sdelay $0x1  }
0xa3: {  	s24 =	simm.s32 $0x1B8B  }
0xa4: {  	_ =	swait.ge [sflag:s24], $0x1  }
0xa5: {  	[sflag:s24] =	ssyncset.done $0x0  }
0xa6: {  	s25 =	simm.s32 $0x1B8E;
	[sflag:s24] =	ssyncadd.s32 $0xFFFFFFFF  }
0xa7: {  	s26 =	simm.s32 $execute0_lowered;
	[smem:$0x3FD2] =	sst s25  }
0xa8: {  	s6 =	sshll.u32 s26, $0x1;
	_ =	strace $0x80000046;
	[dreg:$0x1] =	wrdreg $0xFFFFFFFF  }
0xa9: {  	s28 =	simm.s32 $_size_execute0_lowered;
	s5 =	sadd.s32 s5, s6;
	[dreg:$0x0] =	wrdreg $0x0  }
0xaa: {  	s6 =	sshll.u32 s28, $0x1;
	[dreg:$0x2] =	wrdreg s5  }
0xab: {  	[dreg:$0x3] =	wrdreg s6  }
0xac: {  	[dreg:$0x4] =	wrdreg $0xC0  }
0xad: {  	_ =	task [dreg:s9], $0x5FFFF  }
0xae: {  	[dreg:$0x1] =	wrdreg $0xFFFFFFFF  }
0xaf: {  	[dreg:$0x0] =	wrdreg $0x60  }
0xb0: {  	[dreg:$0x2] =	wrdreg s2  }
0xb1: {  	[dreg:$0x3] =	wrdreg s19  }
0xb2: {  	[dreg:$0x4] =	wrdreg s4  }
0xb3: {  	[dreg:$0x5] =	wrdreg $0x9  }
0xb4: {  	_ =	task.clear_ibuf [dreg:s9], $0x6FFFF;
	_ =	strace $0x90000046  }
0xb5: {  	s29 =	simm.s32 $0x9;
	_ =	strace $0x80000048  }
0xb6: {  	_ =	swait.ge [sflag:s29], $0x1  }
0xb7: {  	[sflag:s29] =	ssyncadd.s32 $0xFFFFFFFF  }
0xb8: {  	_ =	strace $0x90000048  }
0xb9: {  	_ =	sfence  }
0xba: {  	s30 =	sld [smem:$0x0];
	_ =	sdelay $0x2  }
0xbb: {  	s31 =	sshll.u32 s1, $0xD;
	s1 =	sshrl.u32 s1, $0x2  }
0xbc: {  	s3 =	sand.u32 $0x4000, s31;
	s1 =	sadd.s32 s1, s30  }
0xbd: {  	s0 =	sor.u32 s3, s0;
	s1 =	sshll.u32 s1, $0x11  }
0xbe: {  	s0 =	sor.u32 s1, s0  }
0xbf: {  	s0 =	sadd.s32 $0x8F2B, s0  }
0xc0: {  	[sflag:s0] =	ssyncadd.remote.s32 $0x1  }
0xc1: {  	_ =	sfence.sel $0xFFFF  }
0xc2: {  	[dreg:$0x0] =	wrdreg $0xFFFFFFFF;
	(pc) =	sbr.abs _section_cstart, $3  }
0xc3: {  	[dreg:$0x1] =	wrdreg $0xFFFFFFFF  }
0xc4: {  	_ =	task.clear_ibuf [dreg:s9], $0x2FFFF;
	_ =	strace $0x9FFFFFFF  }
0xc5: {  	(tm) =	ssettm $0x7FFFFFFF  }
tec
execute0_lowered:
.L_overlay_start_1:
0x0: {  	(tag) =	ssettag $0x1  }
0x1: {  	s0 =	rddreg [dreg:$0x0]  }
0x2: {  	s2 =	rddreg [dreg:$0x1]  }
0x3: {  	s9 =	rddreg [dreg:$0x2];
	s1 =	srdreg.scid  }
0x4: {  	s5 =	stileid.u32;
	s4 =	simm.s32 $0x0;
	s17 =	simm.s32 $0x200  }
0x5: {  	s20 =	simm.s32 $0x2;
	s22 =	simm.s32 $0x7;
	s28 =	simm.s32 $0x5  }
0x6: {  	s29 =	simm.s32 $0x6;
	s1 =	sand.u32 $0x1, s1;
	s3 =	sshll.u32 s5, $0x1  }
0x7: {  	[smem:$0x7FF] =	sst s4;
	s5 =	sshll.u32 s5, $0x2;
	s8 =	sadd.s32 $0x300, s2  }
0x8: {  	s3 =	sor.u32 s1, s3;
	s1 =	ssub.s32 $0x2, s1;
	s5 =	sand.u32 $0x30, s5  }
0x9: {  	_ =	strace $0x80000047;
	s6 =	sshll.u32 s3, $0x8;
	s7 =	sshrl.u32 s1, $0x1  }
0xa: {  	s0 =	sadd.s32 s0, s5;
	s23 =	sshll.u32 s3, $0x10;
	s24 =	sshll.u32 s3, $0x13  }
0xb: {  	s3 =	simm.s32 $0x1;
	s6 =	sand.u32 $0x700, s6;
	s1 =	ssub.s32 s1, s7  }
0xc: {  	s7 =	sadd.s32 $0x200, s2;
	s9 =	sadd.s32 s9, s23;
	s10 =	sor.u32 $0x4000, s24  }
0xd: {  	s23 =	simm.s32 $0x8;
	s24 =	simm.s32 $0x3;
	s0 =	sadd.s32 s6, s0  }
.Ltmp0:
0xe: {  	s25 =	sadd.s32 $0x1000, s9;
	[dreg:$0x4] =	wrdreg s0;
	(pc) =	sbr.rel .LBB2_1-.Ltmp0, $4  }
0xf: {  	s6 =	sadd.s32 $0x100, s2;
	s26 =	sadd.s32 $0x1800, s9;
	[dreg:$0x5] =	wrdreg s25  }
0x10: {  	v2 =	vlaneseq.u32;
	s30 =	sadd.s32 $0x2000, s9;
	s14 =	sadd.s32 $0x2800, s9;
	[dreg:$0x6] =	wrdreg s26  }
0x11: {  	vm0 =	vmmov $0xffff;
	v1 =	vshrl.u32 v2, $0x3;
	s31 =	smax.u32 s1, $0x1;
	s1 =	simm.s32 $0x0;
	[dreg:$0x7] =	wrdreg s30  }
0x12: {  	v0 =	vand.u32 $0x7, v2;
	v2 =	vor.u32 $0x8, v2;
	v1 =	vmul.u32 $0x8, v1;
	[dreg:$0x8] =	wrdreg s31;
	s26 =	simm.s32 $0x4200;
	s25 =	simm.s32 $0x4  }
.LBB2_20:
0x13: {  	s0 =	simm.s32 $0x9  }
0x14: {  	_ =	swait.ge [sflag:s0], $0x4000  }
0x15: {  	[sflag:s0] =	ssyncset.done $0x0  }
0x16: {  	s19 =	simm.s32 $0xA;
	[sflag:s0] =	ssyncadd.s32 $0xFFFFC000  }
0x17: {  	_ =	swait.ge [sflag:s19], $0x4000  }
0x18: {  	[sflag:s19] =	ssyncset.done $0x0  }
0x19: {  	s21 =	simm.s32 $0xB;
	[sflag:s19] =	ssyncadd.s32 $0xFFFFC000  }
0x1a: {  	_ =	swait.ge [sflag:s21], $0x4000  }
0x1b: {  	[sflag:s21] =	ssyncset.done $0x0  }
0x1c: {  	s30 =	simm.s32 $0xC;
	[sflag:s21] =	ssyncadd.s32 $0xFFFFC000  }
0x1d: {  	_ =	swait.ge [sflag:s30], $0x4000  }
0x1e: {  	[sflag:s30] =	ssyncset.done $0x0  }
0x1f: {  	[sflag:s30] =	ssyncadd.s32 $0xFFFFC000  }
0x20: {  	_ =	swait.ge [sflag:s22], $0x4000  }
0x21: {  	[sflag:s22] =	ssyncset.done $0x0  }
0x22: {  	[sflag:s22] =	ssyncadd.s32 $0xFFFFC000  }
0x23: {  	_ =	swait.ge [sflag:s23], $0x4000  }
0x24: {  	s1 =	rddreg [dreg:$0x9]  }
0x25: {  	s31 =	rddreg [dreg:$0x8];
	s1 =	sadd.s32 $0x1, s1  }
0x26: {  	p0 =	sne.s32 s1, s31  }
.Ltmp1:
0x27: {  	_ = 	snop;
	(pc) =	sbr.rel @!p0 .LBB2_21-.Ltmp1, $3  }
0x28: {  	_ =	sdelay $0x1  }
0x29: {  	[sflag:s23] =	ssyncset.done $0x0  }
0x2a: {  	[sflag:s23] =	ssyncadd.s32 $0xFFFFC000  }
.LBB2_1:
0x2b: {  	[dreg:$0x9] =	wrdreg s1  }
0x2c: {  	s0 =	rddreg [dreg:$0x4];
	s13 =	simm.s32 $0x80;
	s15 =	simm.s32 $0xD  }
0x2d: {  	[tilespmem:s4], [sflag:$0xD] =	stream.strided.gather [hbm4b:s0+s13], $0x200, s17, s13, $0x38;
	[tilespmem:$0x18200] =	vst v63  }
0x2e: {  	_ =	swait.ge [sflag:s15], $0x200  }
0x2f: {  	[sflag:s15] =	ssyncset.done $0x0  }
0x30: {  	[sflag:s15] =	ssyncadd.s32 $0xFFFFFE00  }
0x31: {  	v3 =	vld [tilespmem:$0x0];
	_ =	sdelay $0x4  }
0x32: {  	v4 =	vshll.u32 v3, $0x3  }
0x33: {  	v3 =	vand.u32 $0x7, v3;
	v4 =	vand.u32 $0xFFFFFFC0, v4  }
0x34: {  	v3 =	vor.u32 v3, v4  }
0x35: {  	v4 =	vperm.xlane v3, v0;
	_ =	sdelay $0x1  }
0x36: {  	v4 =	vadd.s32 v1, v4;
	_ =	sdelay $0x4  }
0x37: {  	[tilespmem:s17], [sflag:$0x1] =	stream.indirect_vreg.gather [hbm4b:s2+s4], $0x80, v4, vm0, $0xb8;
	[tilespmem:$0x18200] =	vst v63  }
0x38: {  	s16 =	simm.s32 $0xA00;
	v3 =	vperm.xlane v3, v2  }
0x39: {  	[tilespmem:s16], [sflag:$0x1] =	stream.indirect_vreg.gather [hbm4b:s6+s4], $0x80, v4, vm0, $0xb8;
	[tilespmem:$0x18200] =	vst v63  }
0x3a: {  	s18 =	simm.s32 $0x1200;
	v3 =	vadd.s32 v1, v3  }
0x3b: {  	[tilespmem:s18], [sflag:$0x1] =	stream.indirect_vreg.gather [hbm4b:s7+s4], $0x80, v4, vm0, $0xb8;
	[tilespmem:$0x18200] =	vst v63  }
0x3c: {  	s19 =	simm.s32 $0x1A00  }
0x3d: {  	[tilespmem:s19], [sflag:$0x1] =	stream.indirect_vreg.gather [hbm4b:s8+s4], $0x80, v4, vm0, $0xb8;
	[tilespmem:$0x18200] =	vst v63  }
0x3e: {  	s21 =	simm.s32 $0x2200  }
0x3f: {  	[tilespmem:s21], [sflag:$0x1] =	stream.indirect_vreg.gather [hbm4b:s2+s4], $0x80, v3, vm0, $0xb8;
	[tilespmem:$0x18200] =	vst v63  }
0x40: {  	s31 =	simm.s32 $0x2A00  }
0x41: {  	[tilespmem:s31], [sflag:$0x1] =	stream.indirect_vreg.gather [hbm4b:s6+s4], $0x80, v3, vm0, $0xb8;
	[tilespmem:$0x18200] =	vst v63  }
0x42: {  	s1 =	simm.s32 $0x3200  }
0x43: {  	[tilespmem:s1], [sflag:$0x1] =	stream.indirect_vreg.gather [hbm4b:s7+s4], $0x80, v3, vm0, $0xb8;
	[tilespmem:$0x18200] =	vst v63  }
0x44: {  	s5 =	simm.s32 $0x3A00  }
0x45: {  	[tilespmem:s5], [sflag:$0x1] =	stream.indirect_vreg.gather [hbm4b:s8+s4], $0x80, v3, vm0, $0xb8;
	[tilespmem:$0x18200] =	vst v63  }
0x46: {  	v3 =	vld [tilespmem:$0x10];
	_ =	sdelay $0x4  }
0x47: {  	v60 =	vshll.u32 v3, $0x3  }
0x48: {  	v3 =	vand.u32 $0x7, v3;
	v4 =	vand.u32 $0xFFFFFFC0, v60  }
0x49: {  	v3 =	vor.u32 v3, v4  }
0x4a: {  	v4 =	vperm.xlane v3, v0;
	_ =	sdelay $0x1  }
0x4b: {  	v4 =	vadd.s32 v1, v4;
	_ =	sdelay $0x4  }
0x4c: {  	[tilespmem:s26], [sflag:$0x2] =	stream.indirect_vreg.gather [hbm4b:s2+s4], $0x80, v4, vm0, $0xb8;
	[tilespmem:$0x18200] =	vst v63  }
0x4d: {  	s11 =	simm.s32 $0x4A00;
	v3 =	vperm.xlane v3, v2  }
0x4e: {  	[tilespmem:s11], [sflag:$0x2] =	stream.indirect_vreg.gather [hbm4b:s6+s4], $0x80, v4, vm0, $0xb8;
	[tilespmem:$0x18200] =	vst v63  }
0x4f: {  	s12 =	simm.s32 $0x5200;
	v3 =	vadd.s32 v1, v3  }
0x50: {  	[tilespmem:s12], [sflag:$0x2] =	stream.indirect_vreg.gather [hbm4b:s7+s4], $0x80, v4, vm0, $0xb8;
	[tilespmem:$0x18200] =	vst v63  }
0x51: {  	s13 =	simm.s32 $0x5A00  }
0x52: {  	[tilespmem:s13], [sflag:$0x2] =	stream.indirect_vreg.gather [hbm4b:s8+s4], $0x80, v4, vm0, $0xb8;
	[tilespmem:$0x18200] =	vst v63  }
0x53: {  	s15 =	simm.s32 $0x6200  }
0x54: {  	[tilespmem:s15], [sflag:$0x2] =	stream.indirect_vreg.gather [hbm4b:s2+s4], $0x80, v3, vm0, $0xb8;
	[tilespmem:$0x18200] =	vst v63  }
0x55: {  	s16 =	simm.s32 $0x6A00  }
0x56: {  	[tilespmem:s16], [sflag:$0x2] =	stream.indirect_vreg.gather [hbm4b:s6+s4], $0x80, v3, vm0, $0xb8;
	[tilespmem:$0x18200] =	vst v63  }
0x57: {  	s18 =	simm.s32 $0x7200  }
0x58: {  	[tilespmem:s18], [sflag:$0x2] =	stream.indirect_vreg.gather [hbm4b:s7+s4], $0x80, v3, vm0, $0xb8;
	[tilespmem:$0x18200] =	vst v63  }
0x59: {  	s19 =	simm.s32 $0x7A00  }
0x5a: {  	[tilespmem:s19], [sflag:$0x2] =	stream.indirect_vreg.gather [hbm4b:s8+s4], $0x80, v3, vm0, $0xb8;
	[tilespmem:$0x18200] =	vst v63  }
0x5b: {  	v3 =	vld [tilespmem:$0x20];
	_ =	sdelay $0x4  }
0x5c: {  	v61 =	vshll.u32 v3, $0x3  }
0x5d: {  	v3 =	vand.u32 $0x7, v3;
	v4 =	vand.u32 $0xFFFFFFC0, v61  }
0x5e: {  	v3 =	vor.u32 v3, v4  }
0x5f: {  	v4 =	vperm.xlane v3, v0;
	_ =	sdelay $0x1  }
0x60: {  	v4 =	vadd.s32 v1, v4;
	_ =	sdelay $0x3  }
0x61: {  	s21 =	simm.s32 $0x8200  }
0x62: {  	[tilespmem:s21], [sflag:$0x3] =	stream.indirect_vreg.gather [hbm4b:s2+s4], $0x80, v4, vm0, $0xb8;
	[tilespmem:$0x18200] =	vst v63  }
0x63: {  	s31 =	simm.s32 $0x8A00;
	v3 =	vperm.xlane v3, v2  }
0x64: {  	[tilespmem:s31], [sflag:$0x3] =	stream.indirect_vreg.gather [hbm4b:s6+s4], $0x80, v4, vm0, $0xb8;
	[tilespmem:$0x18200] =	vst v63  }
0x65: {  	s1 =	simm.s32 $0x9200;
	v3 =	vadd.s32 v1, v3  }
0x66: {  	[tilespmem:s1], [sflag:$0x3] =	stream.indirect_vreg.gather [hbm4b:s7+s4], $0x80, v4, vm0, $0xb8;
	[tilespmem:$0x18200] =	vst v63  }
0x67: {  	s5 =	simm.s32 $0x9A00  }
0x68: {  	[tilespmem:s5], [sflag:$0x3] =	stream.indirect_vreg.gather [hbm4b:s8+s4], $0x80, v4, vm0, $0xb8;
	[tilespmem:$0x18200] =	vst v63  }
0x69: {  	s11 =	simm.s32 $0xA200  }
0x6a: {  	[tilespmem:s11], [sflag:$0x3] =	stream.indirect_vreg.gather [hbm4b:s2+s4], $0x80, v3, vm0, $0xb8;
	[tilespmem:$0x18200] =	vst v63  }
0x6b: {  	s12 =	simm.s32 $0xAA00  }
0x6c: {  	[tilespmem:s12], [sflag:$0x3] =	stream.indirect_vreg.gather [hbm4b:s6+s4], $0x80, v3, vm0, $0xb8;
	[tilespmem:$0x18200] =	vst v63  }
0x6d: {  	s13 =	simm.s32 $0xB200  }
0x6e: {  	[tilespmem:s13], [sflag:$0x3] =	stream.indirect_vreg.gather [hbm4b:s7+s4], $0x80, v3, vm0, $0xb8;
	[tilespmem:$0x18200] =	vst v63  }
0x6f: {  	s15 =	simm.s32 $0xBA00  }
0x70: {  	[tilespmem:s15], [sflag:$0x3] =	stream.indirect_vreg.gather [hbm4b:s8+s4], $0x80, v3, vm0, $0xb8;
	[tilespmem:$0x18200] =	vst v63  }
0x71: {  	v3 =	vld [tilespmem:$0x30];
	_ =	sdelay $0x4  }
0x72: {  	v62 =	vshll.u32 v3, $0x3  }
0x73: {  	v3 =	vand.u32 $0x7, v3;
	v4 =	vand.u32 $0xFFFFFFC0, v62  }
0x74: {  	v3 =	vor.u32 v3, v4  }
0x75: {  	v4 =	vperm.xlane v3, v0;
	_ =	sdelay $0x1  }
0x76: {  	v4 =	vadd.s32 v1, v4;
	_ =	sdelay $0x3  }
0x77: {  	s16 =	simm.s32 $0xC200  }
0x78: {  	[tilespmem:s16], [sflag:$0x4] =	stream.indirect_vreg.gather [hbm4b:s2+s4], $0x80, v4, vm0, $0xb8;
	[tilespmem:$0x18200] =	vst v63  }
0x79: {  	s18 =	simm.s32 $0xCA00;
	v3 =	vperm.xlane v3, v2  }
0x7a: {  	[tilespmem:s18], [sflag:$0x4] =	stream.indirect_vreg.gather [hbm4b:s6+s4], $0x80, v4, vm0, $0xb8;
	[tilespmem:$0x18200] =	vst v63  }
0x7b: {  	s19 =	simm.s32 $0xD200;
	v3 =	vadd.s32 v1, v3  }
0x7c: {  	[tilespmem:s19], [sflag:$0x4] =	stream.indirect_vreg.gather [hbm4b:s7+s4], $0x80, v4, vm0, $0xb8;
	[tilespmem:$0x18200] =	vst v63  }
0x7d: {  	s21 =	simm.s32 $0xDA00  }
0x7e: {  	[tilespmem:s21], [sflag:$0x4] =	stream.indirect_vreg.gather [hbm4b:s8+s4], $0x80, v4, vm0, $0xb8;
	[tilespmem:$0x18200] =	vst v63  }
0x7f: {  	s31 =	simm.s32 $0xE200  }
0x80: {  	[tilespmem:s31], [sflag:$0x4] =	stream.indirect_vreg.gather [hbm4b:s2+s4], $0x80, v3, vm0, $0xb8;
	[tilespmem:$0x18200] =	vst v63  }
0x81: {  	s1 =	simm.s32 $0xEA00  }
0x82: {  	[tilespmem:s1], [sflag:$0x4] =	stream.indirect_vreg.gather [hbm4b:s6+s4], $0x80, v3, vm0, $0xb8;
	[tilespmem:$0x18200] =	vst v63  }
0x83: {  	s5 =	simm.s32 $0xF200  }
0x84: {  	[tilespmem:s5], [sflag:$0x4] =	stream.indirect_vreg.gather [hbm4b:s7+s4], $0x80, v3, vm0, $0xb8;
	[tilespmem:$0x18200] =	vst v63  }
0x85: {  	s11 =	simm.s32 $0xFA00  }
0x86: {  	[tilespmem:s11], [sflag:$0x4] =	stream.indirect_vreg.gather [hbm4b:s8+s4], $0x80, v3, vm0, $0xb8;
	[tilespmem:$0x18200] =	vst v63  }
0x87: {  	v3 =	vld [tilespmem:$0x40];
	_ =	sdelay $0x4  }
0x88: {  	v63 =	vshll.u32 v3, $0x3  }
0x89: {  	v3 =	vand.u32 $0x7, v3;
	v4 =	vand.u32 $0xFFFFFFC0, v63  }
0x8a: {  	v3 =	vor.u32 v3, v4  }
0x8b: {  	v4 =	vperm.xlane v3, v0;
	_ =	sdelay $0x1  }
0x8c: {  	v4 =	vadd.s32 v1, v4;
	_ =	sdelay $0x3  }
0x8d: {  	s12 =	simm.s32 $0x10200  }
0x8e: {  	[tilespmem:s12], [sflag:$0x5] =	stream.indirect_vreg.gather [hbm4b:s2+s4], $0x80, v4, vm0, $0xb8;
	[tilespmem:$0x18200] =	vst v63  }
0x8f: {  	s13 =	simm.s32 $0x10A00;
	v3 =	vperm.xlane v3, v2  }
0x90: {  	[tilespmem:s13], [sflag:$0x5] =	stream.indirect_vreg.gather [hbm4b:s6+s4], $0x80, v4, vm0, $0xb8;
	[tilespmem:$0x18200] =	vst v63  }
0x91: {  	s15 =	simm.s32 $0x11200;
	v3 =	vadd.s32 v1, v3  }
0x92: {  	[tilespmem:s15], [sflag:$0x5] =	stream.indirect_vreg.gather [hbm4b:s7+s4], $0x80, v4, vm0, $0xb8;
	[tilespmem:$0x18200] =	vst v63  }
0x93: {  	s16 =	simm.s32 $0x11A00  }
0x94: {  	[tilespmem:s16], [sflag:$0x5] =	stream.indirect_vreg.gather [hbm4b:s8+s4], $0x80, v4, vm0, $0xb8;
	[tilespmem:$0x18200] =	vst v63  }
0x95: {  	s18 =	simm.s32 $0x12200  }
0x96: {  	[tilespmem:s18], [sflag:$0x5] =	stream.indirect_vreg.gather [hbm4b:s2+s4], $0x80, v3, vm0, $0xb8;
	[tilespmem:$0x18200] =	vst v63  }
0x97: {  	s19 =	simm.s32 $0x12A00  }
0x98: {  	[tilespmem:s19], [sflag:$0x5] =	stream.indirect_vreg.gather [hbm4b:s6+s4], $0x80, v3, vm0, $0xb8;
	[tilespmem:$0x18200] =	vst v63  }
0x99: {  	s21 =	simm.s32 $0x13200  }
0x9a: {  	[tilespmem:s21], [sflag:$0x5] =	stream.indirect_vreg.gather [hbm4b:s7+s4], $0x80, v3, vm0, $0xb8;
	[tilespmem:$0x18200] =	vst v63  }
0x9b: {  	s30 =	simm.s32 $0x0;
	s31 =	simm.s32 $0x13A00  }
0x9c: {  	[tilespmem:s31], [sflag:$0x5] =	stream.indirect_vreg.gather [hbm4b:s8+s4], $0x80, v3, vm0, $0xb8;
	[tilespmem:$0x18200] =	vst v63  }
.LBB2_2:
0x9d: {  	s0 =	simm.s32 $0x0  }
0x9e: {  	_ =	swait.ge [sflag:s3], $0x4000;
	s1 =	sand.u32 $0x2000, s0;
	s5 =	sand.u32 $0x1C00, s0  }
0x9f: {  	[sflag:s3] =	ssyncset.done $0x0;
	s0 =	sand.u32 $0x380, s0;
	s1 =	sor.u32 s5, s1  }
0xa0: {  	[sflag:s3] =	ssyncadd.s32 $0xFFFFC000;
	s1 =	sor.u32 s1, s0  }
0xa1: {  	v3 =	vld [tilespmem:s1+$0x270]  }
0xa2: {  	v4 =	vld [tilespmem:s1+$0x200]  }
0xa3: {  	v5 =	vld [tilespmem:s1+$0x210]  }
0xa4: {  	v9 =	vld [tilespmem:s1+$0x240]  }
0xa5: {  	s21 =	simm.s32 $0x400;
	s31 =	simm.s32 $0x80;
	v6 =	vld [tilespmem:s1+$0x220]  }
0xa6: {  	s15 =	simm.s32 $0x10;
	s5 =	sand.u32 $0x2000, s31;
	s0 =	sand.u32 $0x1C00, s21;
	v8 =	vld [tilespmem:s1+$0x230];
	v3 =	vmul.f32 $3.200000000e+01, v3  }
0xa7: {  	s15 =	sand.u32 $0x380, s15;
	s0 =	sor.u32 s0, s5;
	v10 =	vld [tilespmem:s1+$0x250];
	v4 =	vmul.f32 $3.200000000e+01, v4  }
0xa8: {  	v12 =	vld [tilespmem:s1+$0x260];
	s0 =	sor.u32 s0, s15;
	v11 =	vmul.f32 $3.200000000e+01, v5;
	[tilespmem:s1+$0x270] =	vst v3  }
0xa9: {  	v7 =	vld [tilespmem:s0+$0x270];
	v9 =	vmul.f32 $3.200000000e+01, v9;
	[tilespmem:s1+$0x200] =	vst v4  }
0xaa: {  	v5 =	vld [tilespmem:s0+$0x200];
	v3 =	vmul.f32 $3.200000000e+01, v6;
	[tilespmem:s1+$0x210] =	vst v11  }
0xab: {  	v4 =	vmul.f32 $3.200000000e+01, v8;
	v6 =	vld [tilespmem:s0+$0x210];
	[tilespmem:s1+$0x240] =	vst v9  }
0xac: {  	s16 =	simm.s32 $0x800;
	v8 =	vmul.f32 $3.200000000e+01, v10;
	[tilespmem:s1+$0x220] =	vst v3;
	v3 =	vld [tilespmem:s0+$0x220]  }
0xad: {  	s18 =	simm.s32 $0x100;
	s5 =	simm.s32 $0x8;
	s15 =	simm.s32 $0x20;
	v9 =	vmul.f32 $3.200000000e+01, v12;
	[tilespmem:s1+$0x230] =	vst v4;
	v4 =	vld [tilespmem:s0+$0x230]  }
.LBB2_3:
0xae: {  	s19 =	sand.u32 $0x2000, s18;
	s21 =	sand.u32 $0x1C00, s16;
	s5 =	sadd.s32 $0x8, s5;
	v10 =	vld [tilespmem:s0+$0x240];
	v7 =	vmul.f32 $3.200000000e+01, v7;
	[tilespmem:s1+$0x250] =	vst v8  }
0xaf: {  	s31 =	sand.u32 $0x380, s15;
	s19 =	sor.u32 s21, s19;
	p0 =	slt.u32 s5, $0x3F8;
	v5 =	vmul.f32 $3.200000000e+01, v5;
	v8 =	vld [tilespmem:s0+$0x250];
	[tilespmem:s1+$0x260] =	vst v9  }
0xb0: {  	s1 =	smov.u32 s0;
	v6 =	vmul.f32 $3.200000000e+01, v6;
	v9 =	vld [tilespmem:s0+$0x260];
	[tilespmem:s0+$0x270] =	vst v7;
	s0 =	sor.u32 s19, s31  }
.Ltmp2:
0xb1: {  	v7 =	vld [tilespmem:s0+$0x270];
	[tilespmem:s1+$0x200] =	vst v5;
	v3 =	vmul.f32 $3.200000000e+01, v3;
	(pc) =	sbr.rel @p0 .LBB2_3-.Ltmp2, $4  }
0xb2: {  	v5 =	vld [tilespmem:s0+$0x200];
	[tilespmem:s1+$0x210] =	vst v6;
	v4 =	vmul.f32 $3.200000000e+01, v4  }
0xb3: {  	v6 =	vld [tilespmem:s0+$0x210];
	[tilespmem:s1+$0x220] =	vst v3;
	v10 =	vmul.f32 $3.200000000e+01, v10  }
0xb4: {  	v3 =	vld [tilespmem:s0+$0x220];
	[tilespmem:s1+$0x230] =	vst v4;
	v8 =	vmul.f32 $3.200000000e+01, v8  }
0xb5: {  	s15 =	sadd.s32 $0x10, s15;
	s16 =	sadd.s32 $0x400, s16;
	s18 =	sadd.s32 $0x80, s18;
	v4 =	vld [tilespmem:s0+$0x230];
	[tilespmem:s1+$0x240] =	vst v10;
	v9 =	vmul.f32 $3.200000000e+01, v9  }
0xb6: {  	v10 =	vld [tilespmem:s0+$0x240];
	v7 =	vmul.f32 $3.200000000e+01, v7;
	[tilespmem:s1+$0x250] =	vst v8  }
0xb7: {  	v61 =	vld [tilespmem:s0+$0x250];
	v5 =	vmul.f32 $3.200000000e+01, v5;
	[tilespmem:s1+$0x260] =	vst v9  }
0xb8: {  	v62 =	vld [tilespmem:s0+$0x260];
	v6 =	vmul.f32 $3.200000000e+01, v6;
	[tilespmem:s0+$0x270] =	vst v7  }
0xb9: {  	[tilespmem:s0+$0x200] =	vst v5;
	v3 =	vmul.f32 $3.200000000e+01, v3  }
0xba: {  	[tilespmem:s0+$0x210] =	vst v6;
	v4 =	vmul.f32 $3.200000000e+01, v4  }
0xbb: {  	p0 =	seq.s32 s30, $0x0;
	[tilespmem:s0+$0x220] =	vst v3;
	v3 =	vmul.f32 $3.200000000e+01, v10  }
.Ltmp3:
0xbc: {  	v63 =	vmul.f32 $3.200000000e+01, v61;
	[tilespmem:s0+$0x230] =	vst v4;
	(pc) =	sbr.rel @p0 .LBB2_7-.Ltmp3, $4  }
0xbd: {  	s31 =	smul.u32 $0x3000, s30;
	[tilespmem:s0+$0x240] =	vst v3;
	v3 =	vmul.f32 $3.200000000e+01, v62  }
0xbe: {  	[tilespmem:s0+$0x250] =	vst v63  }
0xbf: {  	s21 =	sadd.s32 s31, s9;
	[tilespmem:s0+$0x260] =	vst v3  }
0xc0: {  	[hbm4b:s21+s4] =	stream.linear.scatter [tilespmem:s17], [sflag:$0x7], $0x4000, $0x38;
	[tilespmem:$0x18200] =	vst v63  }
0xc1: {  	p0 =	seq.s32 s30, $0x5  }
.Ltmp4:
0xc2: {  	_ = 	snop;
	(pc) =	sbr.rel @p0 .LBB2_8-.Ltmp4, $1  }
0xc3: {  	_ =	sdelay $0x3  }
0xc4: {  	s0 =	simm.s32 $0xC  }
0xc5: {  	_ =	swait.ge [sflag:s0], $0x4000  }
0xc6: {  	[sflag:s0] =	ssyncset.done $0x0  }
0xc7: {  	[sflag:s0] =	ssyncadd.s32 $0xFFFFC000  }
.LBB2_7:
0xc8: {  	s0 =	smul.u32 $0x180, s30;
	_ =	sdelay $0x1  }
0xc9: {  	s0 =	sshra.s32 s0, $0x2  }
0xca: {  	v3 =	vld [tilespmem:s0+$0x50];
	_ =	sdelay $0x4  }
0xcb: {  	v4 =	vshll.u32 v3, $0x3  }
0xcc: {  	v3 =	vand.u32 $0x7, v3;
	v4 =	vand.u32 $0xFFFFFFC0, v4  }
0xcd: {  	v3 =	vor.u32 v3, v4  }
0xce: {  	v4 =	vperm.xlane v3, v0;
	_ =	sdelay $0x1  }
0xcf: {  	v4 =	vadd.s32 v1, v4;
	_ =	sdelay $0x3  }
0xd0: {  	s11 =	simm.s32 $0x14200  }
0xd1: {  	[tilespmem:s11], [sflag:$0x6] =	stream.indirect_vreg.gather [hbm4b:s2+s4], $0x80, v4, vm0, $0xb8;
	[tilespmem:$0x18200] =	vst v63  }
0xd2: {  	s12 =	simm.s32 $0x14A00;
	v3 =	vperm.xlane v3, v2  }
0xd3: {  	[tilespmem:s12], [sflag:$0x6] =	stream.indirect_vreg.gather [hbm4b:s6+s4], $0x80, v4, vm0, $0xb8;
	[tilespmem:$0x18200] =	vst v63  }
0xd4: {  	s13 =	simm.s32 $0x15200;
	v3 =	vadd.s32 v1, v3  }
0xd5: {  	[tilespmem:s13], [sflag:$0x6] =	stream.indirect_vreg.gather [hbm4b:s7+s4], $0x80, v4, vm0, $0xb8;
	[tilespmem:$0x18200] =	vst v63  }
0xd6: {  	s15 =	simm.s32 $0x15A00  }
0xd7: {  	[tilespmem:s15], [sflag:$0x6] =	stream.indirect_vreg.gather [hbm4b:s8+s4], $0x80, v4, vm0, $0xb8;
	[tilespmem:$0x18200] =	vst v63  }
0xd8: {  	s16 =	simm.s32 $0x16200  }
0xd9: {  	[tilespmem:s16], [sflag:$0x6] =	stream.indirect_vreg.gather [hbm4b:s2+s4], $0x80, v3, vm0, $0xb8;
	[tilespmem:$0x18200] =	vst v63  }
0xda: {  	s18 =	simm.s32 $0x16A00  }
0xdb: {  	[tilespmem:s18], [sflag:$0x6] =	stream.indirect_vreg.gather [hbm4b:s6+s4], $0x80, v3, vm0, $0xb8;
	[tilespmem:$0x18200] =	vst v63  }
0xdc: {  	s19 =	simm.s32 $0x17200  }
0xdd: {  	[tilespmem:s19], [sflag:$0x6] =	stream.indirect_vreg.gather [hbm4b:s7+s4], $0x80, v3, vm0, $0xb8;
	[tilespmem:$0x18200] =	vst v63  }
0xde: {  	s21 =	simm.s32 $0x17A00  }
0xdf: {  	[tilespmem:s21], [sflag:$0x6] =	stream.indirect_vreg.gather [hbm4b:s8+s4], $0x80, v3, vm0, $0xb8;
	[tilespmem:$0x18200] =	vst v63  }
.LBB2_8:
0xe0: {  	s0 =	simm.s32 $0x0  }
0xe1: {  	_ =	swait.ge [sflag:s20], $0x4000;
	s1 =	sand.u32 $0x2000, s0;
	s5 =	sand.u32 $0x1C00, s0  }
0xe2: {  	[sflag:s20] =	ssyncset.done $0x0;
	s0 =	sand.u32 $0x380, s0;
	s1 =	sor.u32 s5, s1  }
0xe3: {  	[sflag:s20] =	ssyncadd.s32 $0xFFFFC000;
	s1 =	sor.u32 s1, s0  }
0xe4: {  	v3 =	vld [tilespmem:s1+$0x4270]  }
0xe5: {  	v4 =	vld [tilespmem:s1+$0x4200]  }
0xe6: {  	v5 =	vld [tilespmem:s1+$0x4210]  }
0xe7: {  	v9 =	vld [tilespmem:s1+$0x4240]  }
0xe8: {  	s19 =	simm.s32 $0x400;
	s21 =	simm.s32 $0x80;
	v6 =	vld [tilespmem:s1+$0x4220]  }
0xe9: {  	s15 =	simm.s32 $0x10;
	s5 =	sand.u32 $0x2000, s21;
	s0 =	sand.u32 $0x1C00, s19;
	v8 =	vld [tilespmem:s1+$0x4230];
	v3 =	vmul.f32 $3.200000000e+01, v3  }
0xea: {  	s15 =	sand.u32 $0x380, s15;
	s0 =	sor.u32 s0, s5;
	v10 =	vld [tilespmem:s1+$0x4250];
	v4 =	vmul.f32 $3.200000000e+01, v4  }
0xeb: {  	v12 =	vld [tilespmem:s1+$0x4260];
	s0 =	sor.u32 s0, s15;
	v11 =	vmul.f32 $3.200000000e+01, v5;
	[tilespmem:s1+$0x4270] =	vst v3  }
0xec: {  	v7 =	vld [tilespmem:s0+$0x4270];
	v9 =	vmul.f32 $3.200000000e+01, v9;
	[tilespmem:s1+$0x4200] =	vst v4  }
0xed: {  	v5 =	vld [tilespmem:s0+$0x4200];
	v3 =	vmul.f32 $3.200000000e+01, v6;
	[tilespmem:s1+$0x4210] =	vst v11  }
0xee: {  	v4 =	vmul.f32 $3.200000000e+01, v8;
	v6 =	vld [tilespmem:s0+$0x4210];
	[tilespmem:s1+$0x4240] =	vst v9  }
0xef: {  	s16 =	simm.s32 $0x800;
	v8 =	vmul.f32 $3.200000000e+01, v10;
	[tilespmem:s1+$0x4220] =	vst v3;
	v3 =	vld [tilespmem:s0+$0x4220]  }
0xf0: {  	s18 =	simm.s32 $0x100;
	s5 =	simm.s32 $0x8;
	s15 =	simm.s32 $0x20;
	v9 =	vmul.f32 $3.200000000e+01, v12;
	[tilespmem:s1+$0x4230] =	vst v4;
	v4 =	vld [tilespmem:s0+$0x4230]  }
.LBB2_9:
0xf1: {  	s19 =	sand.u32 $0x2000, s18;
	s21 =	sand.u32 $0x1C00, s16;
	s5 =	sadd.s32 $0x8, s5;
	v10 =	vld [tilespmem:s0+$0x4240];
	v7 =	vmul.f32 $3.200000000e+01, v7;
	[tilespmem:s1+$0x4250] =	vst v8  }
0xf2: {  	s11 =	sand.u32 $0x380, s15;
	s19 =	sor.u32 s21, s19;
	p0 =	slt.u32 s5, $0x3F8;
	v5 =	vmul.f32 $3.200000000e+01, v5;
	v8 =	vld [tilespmem:s0+$0x4250];
	[tilespmem:s1+$0x4260] =	vst v9  }
0xf3: {  	s1 =	smov.u32 s0;
	v6 =	vmul.f32 $3.200000000e+01, v6;
	v9 =	vld [tilespmem:s0+$0x4260];
	[tilespmem:s0+$0x4270] =	vst v7;
	s0 =	sor.u32 s19, s11  }
.Ltmp5:
0xf4: {  	v7 =	vld [tilespmem:s0+$0x4270];
	[tilespmem:s1+$0x4200] =	vst v5;
	v3 =	vmul.f32 $3.200000000e+01, v3;
	(pc) =	sbr.rel @p0 .LBB2_9-.Ltmp5, $4  }
0xf5: {  	v5 =	vld [tilespmem:s0+$0x4200];
	[tilespmem:s1+$0x4210] =	vst v6;
	v4 =	vmul.f32 $3.200000000e+01, v4  }
0xf6: {  	v6 =	vld [tilespmem:s0+$0x4210];
	[tilespmem:s1+$0x4220] =	vst v3;
	v10 =	vmul.f32 $3.200000000e+01, v10  }
0xf7: {  	v3 =	vld [tilespmem:s0+$0x4220];
	[tilespmem:s1+$0x4230] =	vst v4;
	v8 =	vmul.f32 $3.200000000e+01, v8  }
0xf8: {  	s15 =	sadd.s32 $0x10, s15;
	s16 =	sadd.s32 $0x400, s16;
	s18 =	sadd.s32 $0x80, s18;
	v4 =	vld [tilespmem:s0+$0x4230];
	[tilespmem:s1+$0x4240] =	vst v10;
	v9 =	vmul.f32 $3.200000000e+01, v9  }
0xf9: {  	v10 =	vld [tilespmem:s0+$0x4240];
	v7 =	vmul.f32 $3.200000000e+01, v7;
	[tilespmem:s1+$0x4250] =	vst v8  }
0xfa: {  	v61 =	vld [tilespmem:s0+$0x4250];
	v5 =	vmul.f32 $3.200000000e+01, v5;
	[tilespmem:s1+$0x4260] =	vst v9  }
0xfb: {  	v62 =	vld [tilespmem:s0+$0x4260];
	v6 =	vmul.f32 $3.200000000e+01, v6;
	[tilespmem:s0+$0x4270] =	vst v7  }
0xfc: {  	[tilespmem:s0+$0x4200] =	vst v5;
	v3 =	vmul.f32 $3.200000000e+01, v3  }
0xfd: {  	[tilespmem:s0+$0x4210] =	vst v6;
	v4 =	vmul.f32 $3.200000000e+01, v4  }
0xfe: {  	s19 =	smul.u32 $0x18000, s30;
	p0 =	seq.s32 s30, $0x5;
	[tilespmem:s0+$0x4220] =	vst v3;
	v3 =	vmul.f32 $3.200000000e+01, v10  }
.Ltmp6:
0xff: {  	v63 =	vmul.f32 $3.200000000e+01, v61;
	[tilespmem:s0+$0x4230] =	vst v4;
	(pc) =	sbr.rel @p0 .LBB2_20-.Ltmp6, $4  }
0x100: {  	s1 =	sadd.s32 s19, s10;
	[tilespmem:s0+$0x4240] =	vst v3;
	v3 =	vmul.f32 $3.200000000e+01, v62  }
0x101: {  	s21 =	rddreg [dreg:$0x2];
	s1 =	sshrl.u32 s1, $0x3;
	[tilespmem:s0+$0x4250] =	vst v63  }
0x102: {  	[tilespmem:s0+$0x4260] =	vst v3;
	s0 =	sadd.s32 s21, s1  }
0x103: {  	[hbm4b:s0+s4] =	stream.linear.scatter [tilespmem:s26], [sflag:$0x8], $0x4000, $0x38;
	[tilespmem:$0x18200] =	vst v63  }
0x104: {  	_ =	swait.ge [sflag:s22], $0x4000;
	s0 =	smul.u32 $0x180, s30  }
0x105: {  	[sflag:s22] =	ssyncset.done $0x0  }
0x106: {  	[sflag:s22] =	ssyncadd.s32 $0xFFFFC000;
	s0 =	sshra.s32 s0, $0x2  }
0x107: {  	v3 =	vld [tilespmem:s0+$0x60];
	_ =	sdelay $0x4  }
0x108: {  	v4 =	vshll.u32 v3, $0x3  }
0x109: {  	v3 =	vand.u32 $0x7, v3;
	v4 =	vand.u32 $0xFFFFFFC0, v4  }
0x10a: {  	v3 =	vor.u32 v3, v4  }
0x10b: {  	v4 =	vperm.xlane v3, v0;
	_ =	sdelay $0x1  }
0x10c: {  	v4 =	vadd.s32 v1, v4;
	_ =	sdelay $0x3  }
0x10d: {  	s1 =	simm.s32 $0x0  }
0x10e: {  	[tilespmem:s17], [sflag:$0x1] =	stream.indirect_vreg.gather [hbm4b:s2+s1], $0x80, v4, vm0, $0xb8;
	[tilespmem:$0x18200] =	vst v63  }
0x10f: {  	s5 =	simm.s32 $0xA00;
	v3 =	vperm.xlane v3, v2  }
0x110: {  	[tilespmem:s5], [sflag:$0x1] =	stream.indirect_vreg.gather [hbm4b:s6+s1], $0x80, v4, vm0, $0xb8;
	[tilespmem:$0x18200] =	vst v63  }
0x111: {  	s19 =	simm.s32 $0x1200;
	v3 =	vadd.s32 v1, v3  }
0x112: {  	[tilespmem:s19], [sflag:$0x1] =	stream.indirect_vreg.gather [hbm4b:s7+s1], $0x80, v4, vm0, $0xb8;
	[tilespmem:$0x18200] =	vst v63  }
0x113: {  	s21 =	simm.s32 $0x1A00  }
0x114: {  	[tilespmem:s21], [sflag:$0x1] =	stream.indirect_vreg.gather [hbm4b:s8+s1], $0x80, v4, vm0, $0xb8;
	[tilespmem:$0x18200] =	vst v63  }
0x115: {  	s11 =	simm.s32 $0x2200  }
0x116: {  	[tilespmem:s11], [sflag:$0x1] =	stream.indirect_vreg.gather [hbm4b:s2+s1], $0x80, v3, vm0, $0xb8;
	[tilespmem:$0x18200] =	vst v63  }
0x117: {  	s12 =	simm.s32 $0x2A00  }
0x118: {  	[tilespmem:s12], [sflag:$0x1] =	stream.indirect_vreg.gather [hbm4b:s6+s1], $0x80, v3, vm0, $0xb8;
	[tilespmem:$0x18200] =	vst v63  }
0x119: {  	s13 =	simm.s32 $0x3200  }
0x11a: {  	[tilespmem:s13], [sflag:$0x1] =	stream.indirect_vreg.gather [hbm4b:s7+s1], $0x80, v3, vm0, $0xb8;
	[tilespmem:$0x18200] =	vst v63  }
0x11b: {  	s15 =	simm.s32 $0x3A00  }
0x11c: {  	[tilespmem:s15], [sflag:$0x1] =	stream.indirect_vreg.gather [hbm4b:s8+s1], $0x80, v3, vm0, $0xb8;
	[tilespmem:$0x18200] =	vst v63  }
0x11d: {  	s16 =	sand.u32 $0x2000, s1;
	s11 =	sand.u32 $0x1C00, s1;
	_ =	swait.ge [sflag:s24], $0x4000  }
0x11e: {  	s5 =	sor.u32 s11, s16;
	s1 =	sand.u32 $0x380, s1;
	[sflag:s24] =	ssyncset.done $0x0  }
0x11f: {  	s16 =	sor.u32 s5, s1;
	[sflag:s24] =	ssyncadd.s32 $0xFFFFC000  }
0x120: {  	v3 =	vld [tilespmem:s16+$0x8270]  }
0x121: {  	v4 =	vld [tilespmem:s16+$0x8200]  }
0x122: {  	v5 =	vld [tilespmem:s16+$0x8210]  }
0x123: {  	v9 =	vld [tilespmem:s16+$0x8240]  }
0x124: {  	s18 =	simm.s32 $0x400;
	s19 =	simm.s32 $0x80;
	v6 =	vld [tilespmem:s16+$0x8220]  }
0x125: {  	s21 =	simm.s32 $0x10;
	s5 =	sand.u32 $0x2000, s19;
	s1 =	sand.u32 $0x1C00, s18;
	v8 =	vld [tilespmem:s16+$0x8230];
	v3 =	vmul.f32 $3.200000000e+01, v3  }
0x126: {  	s11 =	sand.u32 $0x380, s21;
	s1 =	sor.u32 s1, s5;
	v10 =	vld [tilespmem:s16+$0x8250];
	v4 =	vmul.f32 $3.200000000e+01, v4  }
0x127: {  	s1 =	sor.u32 s1, s11;
	v12 =	vld [tilespmem:s16+$0x8260];
	v11 =	vmul.f32 $3.200000000e+01, v5;
	[tilespmem:s16+$0x8270] =	vst v3  }
0x128: {  	v7 =	vld [tilespmem:s1+$0x8270];
	v9 =	vmul.f32 $3.200000000e+01, v9;
	[tilespmem:s16+$0x8200] =	vst v4  }
0x129: {  	v5 =	vld [tilespmem:s1+$0x8200];
	v3 =	vmul.f32 $3.200000000e+01, v6;
	[tilespmem:s16+$0x8210] =	vst v11  }
0x12a: {  	v4 =	vmul.f32 $3.200000000e+01, v8;
	v6 =	vld [tilespmem:s1+$0x8210];
	[tilespmem:s16+$0x8240] =	vst v9  }
0x12b: {  	s15 =	simm.s32 $0x20;
	v8 =	vmul.f32 $3.200000000e+01, v10;
	[tilespmem:s16+$0x8220] =	vst v3;
	v3 =	vld [tilespmem:s1+$0x8220]  }
0x12c: {  	s18 =	simm.s32 $0x800;
	s19 =	simm.s32 $0x100;
	s5 =	simm.s32 $0x8;
	v9 =	vmul.f32 $3.200000000e+01, v12;
	[tilespmem:s16+$0x8230] =	vst v4;
	v4 =	vld [tilespmem:s1+$0x8230]  }
.LBB2_12:
0x12d: {  	s11 =	sand.u32 $0x2000, s19;
	s21 =	sand.u32 $0x1C00, s18;
	s5 =	sadd.s32 $0x8, s5;
	v10 =	vld [tilespmem:s1+$0x8240];
	v7 =	vmul.f32 $3.200000000e+01, v7;
	[tilespmem:s16+$0x8250] =	vst v8  }
0x12e: {  	s12 =	sand.u32 $0x380, s15;
	s11 =	sor.u32 s21, s11;
	p0 =	slt.u32 s5, $0x3F8;
	v5 =	vmul.f32 $3.200000000e+01, v5;
	v8 =	vld [tilespmem:s1+$0x8250];
	[tilespmem:s16+$0x8260] =	vst v9  }
0x12f: {  	s16 =	smov.u32 s1;
	v6 =	vmul.f32 $3.200000000e+01, v6;
	v9 =	vld [tilespmem:s1+$0x8260];
	[tilespmem:s1+$0x8270] =	vst v7;
	s1 =	sor.u32 s11, s12  }
.Ltmp7:
0x130: {  	v7 =	vld [tilespmem:s1+$0x8270];
	[tilespmem:s16+$0x8200] =	vst v5;
	v3 =	vmul.f32 $3.200000000e+01, v3;
	(pc) =	sbr.rel @p0 .LBB2_12-.Ltmp7, $4  }
0x131: {  	v5 =	vld [tilespmem:s1+$0x8200];
	[tilespmem:s16+$0x8210] =	vst v6;
	v4 =	vmul.f32 $3.200000000e+01, v4  }
0x132: {  	v6 =	vld [tilespmem:s1+$0x8210];
	[tilespmem:s16+$0x8220] =	vst v3;
	v10 =	vmul.f32 $3.200000000e+01, v10  }
0x133: {  	v3 =	vld [tilespmem:s1+$0x8220];
	[tilespmem:s16+$0x8230] =	vst v4;
	v8 =	vmul.f32 $3.200000000e+01, v8  }
0x134: {  	s15 =	sadd.s32 $0x10, s15;
	s18 =	sadd.s32 $0x400, s18;
	s19 =	sadd.s32 $0x80, s19;
	v4 =	vld [tilespmem:s1+$0x8230];
	[tilespmem:s16+$0x8240] =	vst v10;
	v9 =	vmul.f32 $3.200000000e+01, v9  }
0x135: {  	v10 =	vld [tilespmem:s1+$0x8240];
	v7 =	vmul.f32 $3.200000000e+01, v7;
	[tilespmem:s16+$0x8250] =	vst v8  }
0x136: {  	v8 =	vld [tilespmem:s1+$0x8250];
	v5 =	vmul.f32 $3.200000000e+01, v5;
	[tilespmem:s16+$0x8260] =	vst v9  }
0x137: {  	v9 =	vld [tilespmem:s1+$0x8260];
	v6 =	vmul.f32 $3.200000000e+01, v6;
	[tilespmem:s1+$0x8270] =	vst v7  }
0x138: {  	[tilespmem:s1+$0x8200] =	vst v5;
	v3 =	vmul.f32 $3.200000000e+01, v3  }
0x139: {  	[tilespmem:s1+$0x8210] =	vst v6;
	v4 =	vmul.f32 $3.200000000e+01, v4  }
0x13a: {  	[tilespmem:s1+$0x8220] =	vst v3;
	v3 =	vmul.f32 $3.200000000e+01, v10  }
0x13b: {  	[tilespmem:s1+$0x8230] =	vst v4;
	v4 =	vmul.f32 $3.200000000e+01, v8  }
0x13c: {  	[tilespmem:s1+$0x8240] =	vst v3;
	v3 =	vmul.f32 $3.200000000e+01, v9  }
0x13d: {  	[tilespmem:s1+$0x8250] =	vst v4  }
0x13e: {  	[tilespmem:s1+$0x8260] =	vst v3  }
0x13f: {  	s1 =	rddreg [dreg:$0x5]  }
0x140: {  	s5 =	simm.s32 $0x0;
	s11 =	simm.s32 $0x8200;
	s1 =	sadd.s32 s31, s1  }
0x141: {  	[hbm4b:s1+s5] =	stream.linear.scatter [tilespmem:s11], [sflag:$0x9], $0x4000, $0x38;
	[tilespmem:$0x18200] =	vst v63  }
0x142: {  	_ =	swait.ge [sflag:s23], $0x4000  }
0x143: {  	[sflag:s23] =	ssyncset.done $0x0  }
0x144: {  	[sflag:s23] =	ssyncadd.s32 $0xFFFFC000  }
0x145: {  	v3 =	vld [tilespmem:s0+$0x70];
	_ =	sdelay $0x4  }
0x146: {  	v4 =	vshll.u32 v3, $0x3  }
0x147: {  	v3 =	vand.u32 $0x7, v3;
	v4 =	vand.u32 $0xFFFFFFC0, v4  }
0x148: {  	v3 =	vor.u32 v3, v4  }
0x149: {  	v4 =	vperm.xlane v3, v0;
	_ =	sdelay $0x1  }
0x14a: {  	v4 =	vadd.s32 v1, v4;
	_ =	sdelay $0x4  }
0x14b: {  	[tilespmem:s26], [sflag:$0x2] =	stream.indirect_vreg.gather [hbm4b:s2+s5], $0x80, v4, vm0, $0xb8;
	[tilespmem:$0x18200] =	vst v63  }
0x14c: {  	s16 =	simm.s32 $0x4A00;
	v3 =	vperm.xlane v3, v2  }
0x14d: {  	[tilespmem:s16], [sflag:$0x2] =	stream.indirect_vreg.gather [hbm4b:s6+s5], $0x80, v4, vm0, $0xb8;
	[tilespmem:$0x18200] =	vst v63  }
0x14e: {  	s18 =	simm.s32 $0x5200;
	v3 =	vadd.s32 v1, v3  }
0x14f: {  	[tilespmem:s18], [sflag:$0x2] =	stream.indirect_vreg.gather [hbm4b:s7+s5], $0x80, v4, vm0, $0xb8;
	[tilespmem:$0x18200] =	vst v63  }
0x150: {  	s19 =	simm.s32 $0x5A00  }
0x151: {  	[tilespmem:s19], [sflag:$0x2] =	stream.indirect_vreg.gather [hbm4b:s8+s5], $0x80, v4, vm0, $0xb8;
	[tilespmem:$0x18200] =	vst v63  }
0x152: {  	s21 =	simm.s32 $0x6200  }
0x153: {  	[tilespmem:s21], [sflag:$0x2] =	stream.indirect_vreg.gather [hbm4b:s2+s5], $0x80, v3, vm0, $0xb8;
	[tilespmem:$0x18200] =	vst v63  }
0x154: {  	s11 =	simm.s32 $0x6A00  }
0x155: {  	[tilespmem:s11], [sflag:$0x2] =	stream.indirect_vreg.gather [hbm4b:s6+s5], $0x80, v3, vm0, $0xb8;
	[tilespmem:$0x18200] =	vst v63  }
0x156: {  	s12 =	simm.s32 $0x7200  }
0x157: {  	[tilespmem:s12], [sflag:$0x2] =	stream.indirect_vreg.gather [hbm4b:s7+s5], $0x80, v3, vm0, $0xb8;
	[tilespmem:$0x18200] =	vst v63  }
0x158: {  	s13 =	simm.s32 $0x7A00  }
0x159: {  	[tilespmem:s13], [sflag:$0x2] =	stream.indirect_vreg.gather [hbm4b:s8+s5], $0x80, v3, vm0, $0xb8;
	[tilespmem:$0x18200] =	vst v63  }
0x15a: {  	s15 =	sand.u32 $0x2000, s5;
	s16 =	sand.u32 $0x1C00, s5;
	_ =	swait.ge [sflag:s25], $0x4000  }
0x15b: {  	s1 =	sor.u32 s16, s15;
	s5 =	sand.u32 $0x380, s5;
	[sflag:s25] =	ssyncset.done $0x0  }
0x15c: {  	s16 =	sor.u32 s1, s5;
	[sflag:s25] =	ssyncadd.s32 $0xFFFFC000  }
0x15d: {  	v3 =	vld [tilespmem:s16+$0xC270]  }
0x15e: {  	v4 =	vld [tilespmem:s16+$0xC200]  }
0x15f: {  	v5 =	vld [tilespmem:s16+$0xC210]  }
0x160: {  	v9 =	vld [tilespmem:s16+$0xC240]  }
0x161: {  	s18 =	simm.s32 $0x400;
	s19 =	simm.s32 $0x80;
	v6 =	vld [tilespmem:s16+$0xC220]  }
0x162: {  	s21 =	simm.s32 $0x10;
	s5 =	sand.u32 $0x2000, s19;
	s1 =	sand.u32 $0x1C00, s18;
	v8 =	vld [tilespmem:s16+$0xC230];
	v3 =	vmul.f32 $3.200000000e+01, v3  }
0x163: {  	s11 =	sand.u32 $0x380, s21;
	s1 =	sor.u32 s1, s5;
	v10 =	vld [tilespmem:s16+$0xC250];
	v4 =	vmul.f32 $3.200000000e+01, v4  }
0x164: {  	s1 =	sor.u32 s1, s11;
	v12 =	vld [tilespmem:s16+$0xC260];
	v11 =	vmul.f32 $3.200000000e+01, v5;
	[tilespmem:s16+$0xC270] =	vst v3  }
0x165: {  	v7 =	vld [tilespmem:s1+$0xC270];
	v9 =	vmul.f32 $3.200000000e+01, v9;
	[tilespmem:s16+$0xC200] =	vst v4  }
0x166: {  	v5 =	vld [tilespmem:s1+$0xC200];
	v3 =	vmul.f32 $3.200000000e+01, v6;
	[tilespmem:s16+$0xC210] =	vst v11  }
0x167: {  	v4 =	vmul.f32 $3.200000000e+01, v8;
	v6 =	vld [tilespmem:s1+$0xC210];
	[tilespmem:s16+$0xC240] =	vst v9  }
0x168: {  	s15 =	simm.s32 $0x20;
	v8 =	vmul.f32 $3.200000000e+01, v10;
	[tilespmem:s16+$0xC220] =	vst v3;
	v3 =	vld [tilespmem:s1+$0xC220]  }
0x169: {  	s18 =	simm.s32 $0x800;
	s19 =	simm.s32 $0x100;
	s5 =	simm.s32 $0x8;
	v9 =	vmul.f32 $3.200000000e+01, v12;
	[tilespmem:s16+$0xC230] =	vst v4;
	v4 =	vld [tilespmem:s1+$0xC230]  }
.LBB2_14:
0x16a: {  	s11 =	sand.u32 $0x2000, s19;
	s12 =	sand.u32 $0x1C00, s18;
	s5 =	sadd.s32 $0x8, s5;
	v10 =	vld [tilespmem:s1+$0xC240];
	v7 =	vmul.f32 $3.200000000e+01, v7;
	[tilespmem:s16+$0xC250] =	vst v8  }
0x16b: {  	s21 =	sand.u32 $0x380, s15;
	s11 =	sor.u32 s12, s11;
	p0 =	slt.u32 s5, $0x3F8;
	v5 =	vmul.f32 $3.200000000e+01, v5;
	v8 =	vld [tilespmem:s1+$0xC250];
	[tilespmem:s16+$0xC260] =	vst v9  }
0x16c: {  	s16 =	smov.u32 s1;
	v6 =	vmul.f32 $3.200000000e+01, v6;
	v9 =	vld [tilespmem:s1+$0xC260];
	[tilespmem:s1+$0xC270] =	vst v7;
	s1 =	sor.u32 s11, s21  }
.Ltmp8:
0x16d: {  	v7 =	vld [tilespmem:s1+$0xC270];
	[tilespmem:s16+$0xC200] =	vst v5;
	v3 =	vmul.f32 $3.200000000e+01, v3;
	(pc) =	sbr.rel @p0 .LBB2_14-.Ltmp8, $4  }
0x16e: {  	v5 =	vld [tilespmem:s1+$0xC200];
	[tilespmem:s16+$0xC210] =	vst v6;
	v4 =	vmul.f32 $3.200000000e+01, v4  }
0x16f: {  	v6 =	vld [tilespmem:s1+$0xC210];
	[tilespmem:s16+$0xC220] =	vst v3;
	v10 =	vmul.f32 $3.200000000e+01, v10  }
0x170: {  	v3 =	vld [tilespmem:s1+$0xC220];
	[tilespmem:s16+$0xC230] =	vst v4;
	v8 =	vmul.f32 $3.200000000e+01, v8  }
0x171: {  	s15 =	sadd.s32 $0x10, s15;
	s18 =	sadd.s32 $0x400, s18;
	s19 =	sadd.s32 $0x80, s19;
	v4 =	vld [tilespmem:s1+$0xC230];
	[tilespmem:s16+$0xC240] =	vst v10;
	v9 =	vmul.f32 $3.200000000e+01, v9  }
0x172: {  	v10 =	vld [tilespmem:s1+$0xC240];
	v7 =	vmul.f32 $3.200000000e+01, v7;
	[tilespmem:s16+$0xC250] =	vst v8  }
0x173: {  	v8 =	vld [tilespmem:s1+$0xC250];
	v5 =	vmul.f32 $3.200000000e+01, v5;
	[tilespmem:s16+$0xC260] =	vst v9  }
0x174: {  	v9 =	vld [tilespmem:s1+$0xC260];
	v6 =	vmul.f32 $3.200000000e+01, v6;
	[tilespmem:s1+$0xC270] =	vst v7  }
0x175: {  	[tilespmem:s1+$0xC200] =	vst v5;
	v3 =	vmul.f32 $3.200000000e+01, v3  }
0x176: {  	[tilespmem:s1+$0xC210] =	vst v6;
	v4 =	vmul.f32 $3.200000000e+01, v4  }
0x177: {  	[tilespmem:s1+$0xC220] =	vst v3;
	v3 =	vmul.f32 $3.200000000e+01, v10  }
0x178: {  	[tilespmem:s1+$0xC230] =	vst v4;
	v4 =	vmul.f32 $3.200000000e+01, v8  }
0x179: {  	[tilespmem:s1+$0xC240] =	vst v3;
	v3 =	vmul.f32 $3.200000000e+01, v9  }
0x17a: {  	[tilespmem:s1+$0xC250] =	vst v4  }
0x17b: {  	[tilespmem:s1+$0xC260] =	vst v3  }
0x17c: {  	s1 =	rddreg [dreg:$0x6]  }
0x17d: {  	s5 =	simm.s32 $0xC200;
	p0 =	sgt.u32 s30, $0x3;
	s1 =	sadd.s32 s31, s1  }
0x17e: {  	[hbm4b:s1+s4] =	stream.linear.scatter [tilespmem:s5], [sflag:$0xA], $0x4000, $0x38;
	[tilespmem:$0x18200] =	vst v63  }
0x17f: {  	s1 =	simm.s32 @!p0 $0x9  }
0x180: {  	_ =	swait.ge @!p0 [sflag:s1], $0x4000  }
0x181: {  	[sflag:s1] =	ssyncset.done @!p0 $0x0  }
0x182: {  	[sflag:s1] =	ssyncadd.s32 @!p0 $0xFFFFC000  }
0x183: {  	v3 =	vld @!p0 [tilespmem:s0+$0x80];
	_ =	sdelay $0x4  }
0x184: {  	v4 =	vshll.u32 @!p0 v3, $0x3  }
0x185: {  	v5 =	vlaneseq.u32 @!p0;
	v3 =	vand.u32 @!p0 $0x7, v3;
	v4 =	vand.u32 @!p0 $0xFFFFFFC0, v4  }
0x186: {  	v6 =	vshrl.u32 @!p0 v5, $0x3;
	v3 =	vor.u32 @!p0 v3, v4;
	v4 =	vand.u32 @!p0 $0x7, v5  }
0x187: {  	v6 =	vmul.u32 @!p0 $0x8, v6;
	v4 =	vperm.xlane @!p0 v3, v4;
	_ =	sdelay $0x1  }
0x188: {  	v4 =	vadd.s32 @!p0 v6, v4;
	_ =	sdelay $0x3  }
0x189: {  	vm1 =	vmmov @!p0 $0xffff;
	s5 =	simm.s32 @!p0 $0x8200;
	s1 =	simm.s32 @!p0 $0x0  }
0x18a: {  	v5 =	vor.u32 @!p0 $0x8, v5;
	[tilespmem:s5], [sflag:$0x3] =	stream.indirect_vreg.gather @!p0 [hbm4b:s2+s1], $0x80, v4, vm1, $0xb8;
	[tilespmem:$0x18200] =	vst v63  }
0x18b: {  	v3 =	vperm.xlane @!p0 v3, v5;
	s5 =	simm.s32 @!p0 $0x8A00  }
0x18c: {  	[tilespmem:s5], [sflag:$0x3] =	stream.indirect_vreg.gather @!p0 [hbm4b:s6+s1], $0x80, v4, vm1, $0xb8;
	[tilespmem:$0x18200] =	vst v63  }
0x18d: {  	v3 =	vadd.s32 @!p0 v6, v3;
	s5 =	simm.s32 @!p0 $0x9200  }
0x18e: {  	[tilespmem:s5], [sflag:$0x3] =	stream.indirect_vreg.gather @!p0 [hbm4b:s7+s1], $0x80, v4, vm1, $0xb8;
	[tilespmem:$0x18200] =	vst v63  }
0x18f: {  	s5 =	simm.s32 @!p0 $0x9A00  }
0x190: {  	[tilespmem:s5], [sflag:$0x3] =	stream.indirect_vreg.gather @!p0 [hbm4b:s8+s1], $0x80, v4, vm1, $0xb8;
	[tilespmem:$0x18200] =	vst v63  }
0x191: {  	s5 =	simm.s32 @!p0 $0xA200  }
0x192: {  	[tilespmem:s5], [sflag:$0x3] =	stream.indirect_vreg.gather @!p0 [hbm4b:s2+s1], $0x80, v3, vm1, $0xb8;
	[tilespmem:$0x18200] =	vst v63  }
0x193: {  	s5 =	simm.s32 @!p0 $0xAA00  }
0x194: {  	[tilespmem:s5], [sflag:$0x3] =	stream.indirect_vreg.gather @!p0 [hbm4b:s6+s1], $0x80, v3, vm1, $0xb8;
	[tilespmem:$0x18200] =	vst v63  }
0x195: {  	s5 =	simm.s32 @!p0 $0xB200  }
0x196: {  	[tilespmem:s5], [sflag:$0x3] =	stream.indirect_vreg.gather @!p0 [hbm4b:s7+s1], $0x80, v3, vm1, $0xb8;
	[tilespmem:$0x18200] =	vst v63  }
0x197: {  	s18 =	simm.s32 $0x0;
	s5 =	simm.s32 @!p0 $0xBA00  }
0x198: {  	[tilespmem:s5], [sflag:$0x3] =	stream.indirect_vreg.gather @!p0 [hbm4b:s8+s1], $0x80, v3, vm1, $0xb8;
	[tilespmem:$0x18200] =	vst v63  }
0x199: {  	s19 =	sand.u32 $0x2000, s18;
	s11 =	sand.u32 $0x1C00, s18;
	_ =	swait.ge [sflag:s28], $0x4000  }
0x19a: {  	s1 =	sand.u32 $0x380, s18;
	s5 =	sor.u32 s11, s19;
	[sflag:s28] =	ssyncset.done $0x0  }
0x19b: {  	s11 =	sor.u32 s5, s1;
	[sflag:s28] =	ssyncadd.s32 $0xFFFFC000  }
0x19c: {  	s1 =	sadd.s32 $0x10200, s11;
	v3 =	vld [tilespmem:s11+$0x10200]  }
0x19d: {  	v4 =	vld [tilespmem:s1+$0x70]  }
0x19e: {  	v9 =	vld [tilespmem:s1+$0x40]  }
0x19f: {  	v5 =	vld [tilespmem:s1+$0x10]  }
0x1a0: {  	s21 =	simm.s32 $0x400;
	s12 =	simm.s32 $0x80;
	v6 =	vld [tilespmem:s1+$0x20]  }
0x1a1: {  	s15 =	simm.s32 $0x10;
	s12 =	sand.u32 $0x2000, s12;
	s5 =	sand.u32 $0x1C00, s21;
	v8 =	vld [tilespmem:s1+$0x30];
	v3 =	vmul.f32 $3.200000000e+01, v3  }
0x1a2: {  	s15 =	sand.u32 $0x380, s15;
	s5 =	sor.u32 s5, s12;
	v10 =	vld [tilespmem:s1+$0x50];
	v4 =	vmul.f32 $3.200000000e+01, v4  }
0x1a3: {  	s5 =	sor.u32 s5, s15;
	v11 =	vld [tilespmem:s1+$0x60];
	v9 =	vmul.f32 $3.200000000e+01, v9;
	[tilespmem:s11+$0x10200] =	vst v3  }
0x1a4: {  	s16 =	sadd.s32 $0x10200, s5;
	v7 =	vld [tilespmem:s5+$0x10200];
	v3 =	vmul.f32 $3.200000000e+01, v5;
	[tilespmem:s1+$0x70] =	vst v4  }
0x1a5: {  	v5 =	vmul.f32 $3.200000000e+01, v6;
	v6 =	vld [tilespmem:s16+$0x70];
	[tilespmem:s1+$0x40] =	vst v9  }
0x1a6: {  	v4 =	vld [tilespmem:s16+$0x10];
	[tilespmem:s1+$0x10] =	vst v3;
	v3 =	vmul.f32 $3.200000000e+01, v8  }
0x1a7: {  	s18 =	simm.s32 $0x20;
	[tilespmem:s1+$0x20] =	vst v5;
	v5 =	vld [tilespmem:s16+$0x20];
	v8 =	vmul.f32 $3.200000000e+01, v10  }
0x1a8: {  	s19 =	simm.s32 $0x100;
	s21 =	simm.s32 $0x800;
	s15 =	simm.s32 $0x8;
	v9 =	vmul.f32 $3.200000000e+01, v11;
	[tilespmem:s1+$0x30] =	vst v3;
	v3 =	vld [tilespmem:s16+$0x30]  }
.LBB2_16:
0x1a9: {  	s11 =	sand.u32 $0x2000, s19;
	s12 =	sand.u32 $0x1C00, s21;
	s15 =	sadd.s32 $0x8, s15;
	v7 =	vmul.f32 $3.200000000e+01, v7;
	v10 =	vld [tilespmem:s16+$0x40];
	[tilespmem:s1+$0x50] =	vst v8  }
0x1aa: {  	s13 =	sand.u32 $0x380, s18;
	s11 =	sor.u32 s12, s11;
	p1 =	slt.u32 s15, $0x3F8;
	v8 =	vld [tilespmem:s16+$0x50];
	v6 =	vmul.f32 $3.200000000e+01, v6;
	[tilespmem:s1+$0x60] =	vst v9  }
0x1ab: {  	s1 =	smov.u32 s16;
	[tilespmem:s5+$0x10200] =	vst v7;
	s5 =	sor.u32 s11, s13;
	v4 =	vmul.f32 $3.200000000e+01, v4;
	v9 =	vld [tilespmem:s16+$0x60]  }
.Ltmp9:
0x1ac: {  	s16 =	sadd.s32 $0x10200, s5;
	v7 =	vld [tilespmem:s5+$0x10200];
	v5 =	vmul.f32 $3.200000000e+01, v5;
	[tilespmem:s1+$0x70] =	vst v6;
	(pc) =	sbr.rel @p1 .LBB2_16-.Ltmp9, $4  }
0x1ad: {  	v6 =	vld [tilespmem:s16+$0x70];
	[tilespmem:s1+$0x10] =	vst v4;
	v3 =	vmul.f32 $3.200000000e+01, v3  }
0x1ae: {  	v4 =	vld [tilespmem:s16+$0x10];
	[tilespmem:s1+$0x20] =	vst v5;
	v10 =	vmul.f32 $3.200000000e+01, v10  }
0x1af: {  	v5 =	vld [tilespmem:s16+$0x20];
	[tilespmem:s1+$0x30] =	vst v3;
	v8 =	vmul.f32 $3.200000000e+01, v8  }
0x1b0: {  	s18 =	sadd.s32 $0x10, s18;
	s21 =	sadd.s32 $0x400, s21;
	s19 =	sadd.s32 $0x80, s19;
	v3 =	vld [tilespmem:s16+$0x30];
	[tilespmem:s1+$0x40] =	vst v10;
	v9 =	vmul.f32 $3.200000000e+01, v9  }
0x1b1: {  	v7 =	vmul.f32 $3.200000000e+01, v7;
	v10 =	vld [tilespmem:s16+$0x40];
	[tilespmem:s1+$0x50] =	vst v8  }
0x1b2: {  	v8 =	vld [tilespmem:s16+$0x50];
	v6 =	vmul.f32 $3.200000000e+01, v6;
	[tilespmem:s1+$0x60] =	vst v9  }
0x1b3: {  	[tilespmem:s5+$0x10200] =	vst v7;
	v4 =	vmul.f32 $3.200000000e+01, v4;
	v7 =	vld [tilespmem:s16+$0x60]  }
0x1b4: {  	v5 =	vmul.f32 $3.200000000e+01, v5;
	[tilespmem:s16+$0x70] =	vst v6  }
0x1b5: {  	[tilespmem:s16+$0x10] =	vst v4;
	v3 =	vmul.f32 $3.200000000e+01, v3  }
0x1b6: {  	[tilespmem:s16+$0x20] =	vst v5;
	v4 =	vmul.f32 $3.200000000e+01, v10  }
0x1b7: {  	[tilespmem:s16+$0x30] =	vst v3;
	v3 =	vmul.f32 $3.200000000e+01, v8  }
0x1b8: {  	[tilespmem:s16+$0x40] =	vst v4;
	v4 =	vmul.f32 $3.200000000e+01, v7  }
0x1b9: {  	[tilespmem:s16+$0x50] =	vst v3  }
0x1ba: {  	[tilespmem:s16+$0x60] =	vst v4  }
0x1bb: {  	s1 =	rddreg [dreg:$0x7]  }
0x1bc: {  	s16 =	simm.s32 $0x10200;
	s1 =	sadd.s32 s31, s1  }
0x1bd: {  	[hbm4b:s1+s4] =	stream.linear.scatter [tilespmem:s16], [sflag:$0xB], $0x4000, $0x38;
	[tilespmem:$0x18200] =	vst v63  }
0x1be: {  	s1 =	simm.s32 @!p0 $0xA  }
0x1bf: {  	_ =	swait.ge @!p0 [sflag:s1], $0x4000  }
0x1c0: {  	[sflag:s1] =	ssyncset.done @!p0 $0x0  }
0x1c1: {  	[sflag:s1] =	ssyncadd.s32 @!p0 $0xFFFFC000  }
0x1c2: {  	v3 =	vld @!p0 [tilespmem:s0+$0x90];
	_ =	sdelay $0x4  }
0x1c3: {  	v4 =	vshll.u32 @!p0 v3, $0x3  }
0x1c4: {  	v5 =	vlaneseq.u32 @!p0;
	v3 =	vand.u32 @!p0 $0x7, v3;
	v4 =	vand.u32 @!p0 $0xFFFFFFC0, v4  }
0x1c5: {  	v6 =	vshrl.u32 @!p0 v5, $0x3;
	v3 =	vor.u32 @!p0 v3, v4;
	v4 =	vand.u32 @!p0 $0x7, v5  }
0x1c6: {  	v6 =	vmul.u32 @!p0 $0x8, v6;
	v4 =	vperm.xlane @!p0 v3, v4;
	_ =	sdelay $0x1  }
0x1c7: {  	v4 =	vadd.s32 @!p0 v6, v4;
	_ =	sdelay $0x3  }
0x1c8: {  	s5 =	simm.s32 @!p0 $0xC200;
	s1 =	simm.s32 @!p0 $0x0  }
0x1c9: {  	v5 =	vor.u32 @!p0 $0x8, v5;
	[tilespmem:s5], [sflag:$0x4] =	stream.indirect_vreg.gather @!p0 [hbm4b:s2+s1], $0x80, v4, vm1, $0xb8;
	[tilespmem:$0x18200] =	vst v63  }
0x1ca: {  	v3 =	vperm.xlane @!p0 v3, v5;
	s5 =	simm.s32 @!p0 $0xCA00  }
0x1cb: {  	[tilespmem:s5], [sflag:$0x4] =	stream.indirect_vreg.gather @!p0 [hbm4b:s6+s1], $0x80, v4, vm1, $0xb8;
	[tilespmem:$0x18200] =	vst v63  }
0x1cc: {  	v3 =	vadd.s32 @!p0 v6, v3;
	s5 =	simm.s32 @!p0 $0xD200  }
0x1cd: {  	[tilespmem:s5], [sflag:$0x4] =	stream.indirect_vreg.gather @!p0 [hbm4b:s7+s1], $0x80, v4, vm1, $0xb8;
	[tilespmem:$0x18200] =	vst v63  }
0x1ce: {  	s5 =	simm.s32 @!p0 $0xDA00  }
0x1cf: {  	[tilespmem:s5], [sflag:$0x4] =	stream.indirect_vreg.gather @!p0 [hbm4b:s8+s1], $0x80, v4, vm1, $0xb8;
	[tilespmem:$0x18200] =	vst v63  }
0x1d0: {  	s5 =	simm.s32 @!p0 $0xE200  }
0x1d1: {  	[tilespmem:s5], [sflag:$0x4] =	stream.indirect_vreg.gather @!p0 [hbm4b:s2+s1], $0x80, v3, vm1, $0xb8;
	[tilespmem:$0x18200] =	vst v63  }
0x1d2: {  	s5 =	simm.s32 @!p0 $0xEA00  }
0x1d3: {  	[tilespmem:s5], [sflag:$0x4] =	stream.indirect_vreg.gather @!p0 [hbm4b:s6+s1], $0x80, v3, vm1, $0xb8;
	[tilespmem:$0x18200] =	vst v63  }
0x1d4: {  	s5 =	simm.s32 @!p0 $0xF200  }
0x1d5: {  	[tilespmem:s5], [sflag:$0x4] =	stream.indirect_vreg.gather @!p0 [hbm4b:s7+s1], $0x80, v3, vm1, $0xb8;
	[tilespmem:$0x18200] =	vst v63  }
0x1d6: {  	s18 =	simm.s32 $0x0;
	s5 =	simm.s32 @!p0 $0xFA00  }
0x1d7: {  	[tilespmem:s5], [sflag:$0x4] =	stream.indirect_vreg.gather @!p0 [hbm4b:s8+s1], $0x80, v3, vm1, $0xb8;
	[tilespmem:$0x18200] =	vst v63  }
0x1d8: {  	s19 =	sand.u32 $0x2000, s18;
	s11 =	sand.u32 $0x1C00, s18;
	_ =	swait.ge [sflag:s29], $0x4000  }
0x1d9: {  	s1 =	sand.u32 $0x380, s18;
	s5 =	sor.u32 s11, s19;
	[sflag:s29] =	ssyncset.done $0x0  }
0x1da: {  	s11 =	sor.u32 s5, s1;
	[sflag:s29] =	ssyncadd.s32 $0xFFFFC000  }
0x1db: {  	s1 =	sadd.s32 $0x14200, s11;
	v3 =	vld [tilespmem:s11+$0x14200]  }
0x1dc: {  	v4 =	vld [tilespmem:s1+$0x70]  }
0x1dd: {  	v9 =	vld [tilespmem:s1+$0x40]  }
0x1de: {  	v5 =	vld [tilespmem:s1+$0x10]  }
0x1df: {  	s21 =	simm.s32 $0x400;
	s12 =	simm.s32 $0x80;
	v6 =	vld [tilespmem:s1+$0x20]  }
0x1e0: {  	s13 =	simm.s32 $0x10;
	s12 =	sand.u32 $0x2000, s12;
	s5 =	sand.u32 $0x1C00, s21;
	v8 =	vld [tilespmem:s1+$0x30];
	v3 =	vmul.f32 $3.200000000e+01, v3  }
0x1e1: {  	s13 =	sand.u32 $0x380, s13;
	s5 =	sor.u32 s5, s12;
	v10 =	vld [tilespmem:s1+$0x50];
	v4 =	vmul.f32 $3.200000000e+01, v4  }
0x1e2: {  	s5 =	sor.u32 s5, s13;
	v11 =	vld [tilespmem:s1+$0x60];
	v9 =	vmul.f32 $3.200000000e+01, v9;
	[tilespmem:s11+$0x14200] =	vst v3  }
0x1e3: {  	s16 =	sadd.s32 $0x14200, s5;
	v7 =	vld [tilespmem:s5+$0x14200];
	v3 =	vmul.f32 $3.200000000e+01, v5;
	[tilespmem:s1+$0x70] =	vst v4  }
0x1e4: {  	v5 =	vmul.f32 $3.200000000e+01, v6;
	v6 =	vld [tilespmem:s16+$0x70];
	[tilespmem:s1+$0x40] =	vst v9  }
0x1e5: {  	v4 =	vld [tilespmem:s16+$0x10];
	[tilespmem:s1+$0x10] =	vst v3;
	v3 =	vmul.f32 $3.200000000e+01, v8  }
0x1e6: {  	s15 =	simm.s32 $0x8;
	[tilespmem:s1+$0x20] =	vst v5;
	v5 =	vld [tilespmem:s16+$0x20];
	v8 =	vmul.f32 $3.200000000e+01, v10  }
0x1e7: {  	s18 =	simm.s32 $0x20;
	s19 =	simm.s32 $0x100;
	s21 =	simm.s32 $0x800;
	v9 =	vmul.f32 $3.200000000e+01, v11;
	[tilespmem:s1+$0x30] =	vst v3;
	v3 =	vld [tilespmem:s16+$0x30]  }
.LBB2_18:
0x1e8: {  	s11 =	sand.u32 $0x2000, s19;
	s12 =	sand.u32 $0x1C00, s21;
	s15 =	sadd.s32 $0x8, s15;
	v7 =	vmul.f32 $3.200000000e+01, v7;
	v10 =	vld [tilespmem:s16+$0x40];
	[tilespmem:s1+$0x50] =	vst v8  }
0x1e9: {  	s13 =	sand.u32 $0x380, s18;
	s11 =	sor.u32 s12, s11;
	p1 =	slt.u32 s15, $0x3F8;
	v8 =	vld [tilespmem:s16+$0x50];
	v6 =	vmul.f32 $3.200000000e+01, v6;
	[tilespmem:s1+$0x60] =	vst v9  }
0x1ea: {  	s1 =	smov.u32 s16;
	[tilespmem:s5+$0x14200] =	vst v7;
	s5 =	sor.u32 s11, s13;
	v4 =	vmul.f32 $3.200000000e+01, v4;
	v9 =	vld [tilespmem:s16+$0x60]  }
.Ltmp10:
0x1eb: {  	s16 =	sadd.s32 $0x14200, s5;
	v7 =	vld [tilespmem:s5+$0x14200];
	v5 =	vmul.f32 $3.200000000e+01, v5;
	[tilespmem:s1+$0x70] =	vst v6;
	(pc) =	sbr.rel @p1 .LBB2_18-.Ltmp10, $4  }
0x1ec: {  	v6 =	vld [tilespmem:s16+$0x70];
	[tilespmem:s1+$0x10] =	vst v4;
	v3 =	vmul.f32 $3.200000000e+01, v3  }
0x1ed: {  	v4 =	vld [tilespmem:s16+$0x10];
	[tilespmem:s1+$0x20] =	vst v5;
	v10 =	vmul.f32 $3.200000000e+01, v10  }
0x1ee: {  	v5 =	vld [tilespmem:s16+$0x20];
	[tilespmem:s1+$0x30] =	vst v3;
	v8 =	vmul.f32 $3.200000000e+01, v8  }
0x1ef: {  	s18 =	sadd.s32 $0x10, s18;
	s21 =	sadd.s32 $0x400, s21;
	s19 =	sadd.s32 $0x80, s19;
	v3 =	vld [tilespmem:s16+$0x30];
	[tilespmem:s1+$0x40] =	vst v10;
	v9 =	vmul.f32 $3.200000000e+01, v9  }
0x1f0: {  	v7 =	vmul.f32 $3.200000000e+01, v7;
	v10 =	vld [tilespmem:s16+$0x40];
	[tilespmem:s1+$0x50] =	vst v8  }
0x1f1: {  	v61 =	vld [tilespmem:s16+$0x60];
	v6 =	vmul.f32 $3.200000000e+01, v6;
	[tilespmem:s1+$0x60] =	vst v9  }
0x1f2: {  	v60 =	vld [tilespmem:s16+$0x50];
	[tilespmem:s5+$0x14200] =	vst v7;
	v4 =	vmul.f32 $3.200000000e+01, v4  }
0x1f3: {  	v5 =	vmul.f32 $3.200000000e+01, v5;
	[tilespmem:s16+$0x70] =	vst v6  }
0x1f4: {  	[tilespmem:s16+$0x10] =	vst v4;
	v3 =	vmul.f32 $3.200000000e+01, v3  }
0x1f5: {  	[tilespmem:s16+$0x20] =	vst v5;
	v62 =	vmul.f32 $3.200000000e+01, v10  }
0x1f6: {  	v63 =	vmul.f32 $3.200000000e+01, v61;
	[tilespmem:s16+$0x30] =	vst v3  }
0x1f7: {  	v3 =	vmul.f32 $3.200000000e+01, v60;
	[tilespmem:s16+$0x40] =	vst v62  }
0x1f8: {  	[tilespmem:s16+$0x60] =	vst v63  }
0x1f9: {  	s21 =	sadd.s32 s31, s14;
	s31 =	simm.s32 $0x14200;
	s1 =	simm.s32 @!p0 $0xB;
	[tilespmem:s16+$0x50] =	vst v3  }
0x1fa: {  	[hbm4b:s21+s4] =	stream.linear.scatter [tilespmem:s31], [sflag:$0xC], $0x4000, $0x38;
	[tilespmem:$0x18200] =	vst v63  }
0x1fb: {  	_ =	swait.ge @!p0 [sflag:s1], $0x4000  }
0x1fc: {  	[sflag:s1] =	ssyncset.done @!p0 $0x0  }
0x1fd: {  	[sflag:s1] =	ssyncadd.s32 @!p0 $0xFFFFC000  }
0x1fe: {  	v3 =	vld @!p0 [tilespmem:s0+$0xA0];
	_ =	sdelay $0x4  }
0x1ff: {  	v4 =	vshll.u32 @!p0 v3, $0x3  }
0x200: {  	v5 =	vlaneseq.u32 @!p0;
	v3 =	vand.u32 @!p0 $0x7, v3;
	v4 =	vand.u32 @!p0 $0xFFFFFFC0, v4  }
0x201: {  	v6 =	vshrl.u32 @!p0 v5, $0x3;
	v3 =	vor.u32 @!p0 v3, v4;
	v4 =	vand.u32 @!p0 $0x7, v5  }
0x202: {  	v6 =	vmul.u32 @!p0 $0x8, v6;
	v4 =	vperm.xlane @!p0 v3, v4;
	_ =	sdelay $0x1  }
0x203: {  	v4 =	vadd.s32 @!p0 v6, v4;
	_ =	sdelay $0x3  }
0x204: {  	s1 =	simm.s32 @!p0 $0x10200;
	s0 =	simm.s32 @!p0 $0x0  }
0x205: {  	v5 =	vor.u32 @!p0 $0x8, v5;
	[tilespmem:s1], [sflag:$0x5] =	stream.indirect_vreg.gather @!p0 [hbm4b:s2+s0], $0x80, v4, vm1, $0xb8;
	[tilespmem:$0x18200] =	vst v63  }
0x206: {  	v3 =	vperm.xlane @!p0 v3, v5;
	s1 =	simm.s32 @!p0 $0x10A00  }
0x207: {  	[tilespmem:s1], [sflag:$0x5] =	stream.indirect_vreg.gather @!p0 [hbm4b:s6+s0], $0x80, v4, vm1, $0xb8;
	[tilespmem:$0x18200] =	vst v63  }
0x208: {  	v3 =	vadd.s32 @!p0 v6, v3;
	s1 =	simm.s32 @!p0 $0x11200  }
0x209: {  	[tilespmem:s1], [sflag:$0x5] =	stream.indirect_vreg.gather @!p0 [hbm4b:s7+s0], $0x80, v4, vm1, $0xb8;
	[tilespmem:$0x18200] =	vst v63  }
0x20a: {  	s1 =	simm.s32 @!p0 $0x11A00  }
0x20b: {  	[tilespmem:s1], [sflag:$0x5] =	stream.indirect_vreg.gather @!p0 [hbm4b:s8+s0], $0x80, v4, vm1, $0xb8;
	[tilespmem:$0x18200] =	vst v63  }
0x20c: {  	s1 =	simm.s32 @!p0 $0x12200  }
0x20d: {  	[tilespmem:s1], [sflag:$0x5] =	stream.indirect_vreg.gather @!p0 [hbm4b:s2+s0], $0x80, v3, vm1, $0xb8;
	[tilespmem:$0x18200] =	vst v63  }
0x20e: {  	s1 =	simm.s32 @!p0 $0x12A00  }
0x20f: {  	[tilespmem:s1], [sflag:$0x5] =	stream.indirect_vreg.gather @!p0 [hbm4b:s6+s0], $0x80, v3, vm1, $0xb8;
	[tilespmem:$0x18200] =	vst v63  }
0x210: {  	s1 =	simm.s32 @!p0 $0x13200  }
0x211: {  	[tilespmem:s1], [sflag:$0x5] =	stream.indirect_vreg.gather @!p0 [hbm4b:s7+s0], $0x80, v3, vm1, $0xb8;
	[tilespmem:$0x18200] =	vst v63  }
0x212: {  	s30 =	sadd.s32 $0x1, s30;
	s1 =	simm.s32 @!p0 $0x13A00  }
0x213: {  	[tilespmem:s1], [sflag:$0x5] =	stream.indirect_vreg.gather @!p0 [hbm4b:s8+s0], $0x80, v3, vm1, $0xb8;
	[tilespmem:$0x18200] =	vst v63  }
0x214: {  	p0 =	sne.s32 s30, $0x6  }
.Ltmp11:
0x215: {  	_ = 	snop;
	(pc) =	sbr.rel @p0 .LBB2_2-.Ltmp11, $4  }
.Ltmp12:
0x216: {  	_ = 	snop;
	(pc) =	sbr.rel @!p0 .LBB2_20-.Ltmp12, $4  }
0x217: {  	_ = 	snop  }
0x218: {  	_ = 	snop  }
0x219: {  	_ = 	snop  }
0x21a: {  	_ = 	snop  }
.LBB2_21:
0x21b: {  	_ =	sfence.sel $0x180000  }
0x21c: {  	[bflag:$0x0] =	sbarrier.arrive $0xFFFF  }
0x21d: {  	_ =	strace $0x90000047  }
0x21e: {  	s0 =	stileid.u32;
	[bflag:$0x2] =	sbarrier.arrive $0xFFFF  }
0x21f: {  	p0 =	sne.s32 s0, $0x0;
	s0 =	rddreg [dreg:$0x3]  }
0x220: {  	s0 =	sadd.s32 @!p0 $0x100000, s0  }
0x221: {  	[sflag:s0] =	ssyncadd.tile.s32 @!p0 $0x1;
	_ =	shalt  }
.Lfunc_end2:
_tile_overlayer_lowered:
.L_overlay_start_2:
0x222: {  	(tag) =	ssettag $0x2  }
0x223: {  	s0 =	rddreg [dreg:$0x0];
	s2 =	stileid.u32  }
0x224: {  	s1 =	rddreg [dreg:$0x1];
	p0 =	sne.s32 s2, $0x0  }
0x225: {  	s3 =	rddreg [dreg:$0x2];
	[bflag:$0x3] =	sbarrier.arrive $0xFFFF;
	s2 =	simm.s32 @!p0 $0x1C0D  }
0x226: {  	[timem:s3], [sflag:s2] =	dma.local @!p0 [hbm:s0], s1  }
0x227: {  	s0 =	simm.s32 @!p0 $0xD  }
0x228: {  	_ =	swait.ge @!p0 [sflag:s0], s1  }
0x229: {  	s1 =	ssub.s32 @!p0 $0x0, s1;
	[sflag:s0] =	ssyncset.done @!p0 $0x0  }
0x22a: {  	[sflag:s0] =	ssyncadd.s32 @!p0 s1  }
0x22b: {  	[bflag:$0x3] =	sbarrier.arrive $0xFFFF  }
0x22c: {  	_ =	shalt  }

</sc_bundles>
